<compile_context>
chip_gen: v7x
topology: tpu7x:2x2x1
jax: 0.10.2.dev20260603
libtpu: 0.0.44.dev20260713+nightly
codegen_flags: <defaults>
</compile_context>

<pallas_src>
import functools

import jax
import jax.numpy as jnp
from jax import lax
from jax.experimental import pallas as pl
from jax.experimental.pallas import tpu as pltpu
from jax.experimental.pallas import tpu_sc as plsc

B = 16384
L = 50
D = 64
NC, NS = 2, 16
NW = NC * NS
RW = B // NW
CS = 512
NCH = RW // CS
WAVE = 7


def _embed_sum(ids_r, table):
    mesh = plsc.VectorSubcoreMesh(core_axis_name="c", subcore_axis_name="s")

    @functools.partial(
        pl.kernel,
        out_type=jax.ShapeDtypeStruct((B, D), jnp.float32),
        mesh=mesh,
        compiler_params=pltpu.CompilerParams(use_tc_tiling_on_sc=False),
        scratch_types=[
            pltpu.VMEM((L, RW), jnp.int32),
            pltpu.VMEM((RW, D), jnp.float32),
            pltpu.SemaphoreType.DMA,
            pltpu.SemaphoreType.DMA,
            pltpu.SemaphoreType.DMA,
            pltpu.SemaphoreType.DMA,
        ],
    )
    def k(ids_hbm, table_hbm, out_hbm, idx_v, acc_v, sem0, sem1, sem2, semi):
        wid = lax.axis_index("s") * NC + lax.axis_index("c")
        pltpu.sync_copy(ids_hbm.at[wid], idx_v)

        def fire(l, sem, add):
            return [
                pltpu.async_copy(
                    table_hbm.at[idx_v.at[l, pl.ds(c * CS, CS)]],
                    acc_v.at[pl.ds(c * CS, CS), :],
                    sem,
                    add=add,
                )
                for c in range(NCH)
            ]

        init = fire(0, semi, False)
        for d in init:
            d.wait()

        sems = (sem0, sem1, sem2)
        waves = []
        for w in range(WAVE):
            waves.append(
                [d for l in range(1 + w * WAVE, 1 + (w + 1) * WAVE)
                 for d in fire(l, sems[w % 3], True)]
            )
            if w > 1:
                for d in waves[w - 2]:
                    d.wait()
        for wv in waves[-2:]:
            for d in wv:
                d.wait()

        pltpu.sync_copy(acc_v, out_hbm.at[pl.ds(wid * RW, RW)])

    return k(ids_r, table)


def kernel(node_props, atom_ids, atom_embedding_weight):
    del node_props
    ids_r = (
        atom_ids.astype(jnp.int32)
        .reshape(NW, RW, L)
        .transpose(0, 2, 1)
    )
    return _embed_sum(ids_r, atom_embedding_weight)

# --- scband reference (transcript-rebuilt; emitter-appended) ---
"""Pipeline reference for scband-embed-46901042872366 (READ-ONLY COPY).

The authoritative reference and input builder live on the scoring server;
editing this copy changes nothing except your own understanding.
"""

import jax, jax.numpy as jnp
import numpy as np

VOCAB = 100001  # len(ATOM_NEIGHBOR_IDS) + 1
KERNEL_DIM = 64


def setup_inputs(seed: int = 0) -> dict:
    key = jax.random.key(seed)
    k1, k2 = jax.random.split(key)
    node_props = jnp.zeros((16384, 1), dtype=jnp.float32)
    atom_ids = jax.random.randint(k1, (16384, 50), 0, 100000, dtype=jnp.int64 if jax.config.jax_enable_x64 else jnp.int32)
    atom_embedding_weight = jax.random.normal(k2, (VOCAB, KERNEL_DIM), dtype=jnp.float32)
    return {"node_props": node_props, "atom_ids": atom_ids, "atom_embedding_weight": atom_embedding_weight}


def reference(node_props, atom_ids, atom_embedding_weight):
    # Branch: baseline_atom_ids=True, any(properties)=False, input_dim=0
    # atom_out = atom_embedding(atom_ids.long()); atom_out = atom_out.sum(dim=1)
    atom_out = jnp.take(atom_embedding_weight, atom_ids, axis=0)  # [B, L, D]
    atom_out = atom_out.sum(axis=1)  # [B, D]
    return atom_out

if __name__ == "__main__":
    import jax
    _d = setup_inputs()
    print(jax.jit(kernel)(*tuple(_d.values())))

</pallas_src>

<mosaic_0001>
#map = affine_map<(d0, d1) -> (0, 0, 0)>
#map1 = affine_map<(d0, d1) -> (0, 0)>
module attributes {stable_mosaic.version = 14 : i64} {
  func.func @k(%arg0: i32, %arg1: i32, %arg2: memref<32x50x512xi32, #tpu.memory_space<hbm>>, %arg3: memref<100001x64xf32, #tpu.memory_space<hbm>>, %arg4: memref<16384x64xf32, #tpu.memory_space<hbm>>, %arg5: memref<50x512xi32, #tpu.memory_space<vmem>>, %arg6: memref<512x64xf32, #tpu.memory_space<vmem>>, %arg7: memref<!tpu.dma_semaphore, #tpu.memory_space<semaphore_mem>>, %arg8: memref<!tpu.dma_semaphore, #tpu.memory_space<semaphore_mem>>, %arg9: memref<!tpu.dma_semaphore, #tpu.memory_space<semaphore_mem>>, %arg10: memref<!tpu.dma_semaphore, #tpu.memory_space<semaphore_mem>>) attributes {dimension_semantics = [#tpu.dimension_semantics<core_parallel>, #tpu.dimension_semantics<subcore_parallel>], iteration_bounds = array<i64: 2, 16>, scalar_prefetch = 0 : i64, scratch_operands = 6 : i64, tpu.core_type = #tpu.core_type<sc_vector_subcore>, window_params = [{transform_indices = #map}, {transform_indices = #map1}, {transform_indices = #map1}]} {
    %mul3A = arith.constant 2 : i32
    %mul3A_0 = arith.muli %arg1, %mul3A : i32
    %add3A = arith.addi %mul3A_0, %arg0 : i32
    "tpu.region"() ({
      %run_scoped3A = tpu.sem_alloc : memref<!tpu.dma_semaphore, #tpu.memory_space<semaphore_mem>>
      %dma_start3A_1001 = arith.constant 0 : i32
      %dma_start3A_1002 = arith.constant 0 : i32
      %dma_start3A_1003 = tpu.memref_slice %arg2[%add3A, %dma_start3A_1001, %dma_start3A_1002] : memref<32x50x512xi32, #tpu.memory_space<hbm>> -> memref<1x50x512xi32, #tpu.memory_space<hbm>>
      %dma_start3A_1004 = tpu.memref_squeeze %dma_start3A_1003 : memref<1x50x512xi32, #tpu.memory_space<hbm>> -> memref<50x512xi32, #tpu.memory_space<hbm>>
      %dma_start3A_1005 = arith.constant 0 : i32
      %dma_start3A_1006 = arith.constant 0 : i32
      %dma_start3A_1007 = tpu.memref_slice %arg2[%add3A, %dma_start3A_1005, %dma_start3A_1006] : memref<32x50x512xi32, #tpu.memory_space<hbm>> -> memref<1x50x512xi32, #tpu.memory_space<hbm>>
      %dma_start3A_1008 = tpu.memref_squeeze %dma_start3A_1007 : memref<1x50x512xi32, #tpu.memory_space<hbm>> -> memref<50x512xi32, #tpu.memory_space<hbm>>
      tpu.enqueue_dma source(%dma_start3A_1008 : memref<50x512xi32, #tpu.memory_space<hbm>>) target(%arg5 : memref<50x512xi32, #tpu.memory_space<vmem>>) target_semaphore(%run_scoped3A : memref<!tpu.dma_semaphore, #tpu.memory_space<semaphore_mem>>)
      %dma_wait3A_1009 = arith.constant 0 : i32
      %dma_wait3A_1010 = arith.constant 0 : i32
      %dma_wait3A_1011 = tpu.memref_slice %arg2[%add3A, %dma_wait3A_1009, %dma_wait3A_1010] : memref<32x50x512xi32, #tpu.memory_space<hbm>> -> memref<1x50x512xi32, #tpu.memory_space<hbm>>
      %dma_wait3A_1012 = tpu.memref_squeeze %dma_wait3A_1011 : memref<1x50x512xi32, #tpu.memory_space<hbm>> -> memref<50x512xi32, #tpu.memory_space<hbm>>
      %dma_wait3A_1013 = arith.constant 0 : i32
      %dma_wait3A_1014 = arith.constant 0 : i32
      %dma_wait3A_1015 = tpu.memref_slice %arg2[%add3A, %dma_wait3A_1013, %dma_wait3A_1014] : memref<32x50x512xi32, #tpu.memory_space<hbm>> -> memref<1x50x512xi32, #tpu.memory_space<hbm>>
      %dma_wait3A_1016 = tpu.memref_squeeze %dma_wait3A_1015 : memref<1x50x512xi32, #tpu.memory_space<hbm>> -> memref<50x512xi32, #tpu.memory_space<hbm>>
      tpu.wait_dma2 semaphore(%run_scoped3A : memref<!tpu.dma_semaphore, #tpu.memory_space<semaphore_mem>>) src(%dma_wait3A_1016 : memref<50x512xi32, #tpu.memory_space<hbm>>) dst(%arg5 : memref<50x512xi32, #tpu.memory_space<vmem>>)
      tpu.yield
    }) : () -> ()
    %dma_start3A = arith.constant 0 : i32
    %dma_start3A_1 = arith.constant 0 : i32
    %dma_start3A_2 = arith.constant 0 : i32
    %dma_start3A_3 = tpu.memref_slice %arg6[%dma_start3A_1, %dma_start3A_2] : memref<512x64xf32, #tpu.memory_space<vmem>> -> memref<512x64xf32, #tpu.memory_space<vmem>>
    %dma_start3A_4 = arith.constant 0 : i32
    %dma_start3A_5 = tpu.memref_slice %arg5[%dma_start3A, %dma_start3A_4] : memref<50x512xi32, #tpu.memory_space<vmem>> -> memref<1x512xi32, #tpu.memory_space<vmem>>
    %dma_start3A_6 = tpu.memref_squeeze %dma_start3A_5 : memref<1x512xi32, #tpu.memory_space<vmem>> -> memref<512xi32, #tpu.memory_space<vmem>>
    %dma_start3A_7 = arith.constant 0 : i32
    %dma_start3A_8 = arith.constant 0 : i32
    %dma_start3A_9 = tpu.memref_slice %arg3[%dma_start3A_7, %dma_start3A_8] : memref<100001x64xf32, #tpu.memory_space<hbm>> -> memref<100001x64xf32, #tpu.memory_space<hbm>>
    tpu.enqueue_indirect_dma source(%dma_start3A_9 : memref<100001x64xf32, #tpu.memory_space<hbm>>) target(%dma_start3A_3 : memref<512x64xf32, #tpu.memory_space<vmem>>) offsets(%dma_start3A_6 : memref<512xi32, #tpu.memory_space<vmem>>) semaphore(%arg10 : memref<!tpu.dma_semaphore, #tpu.memory_space<semaphore_mem>>)
    %dma_wait3A = arith.constant 0 : i32
    %dma_wait3A_10 = arith.constant 0 : i32
    %dma_wait3A_11 = arith.constant 0 : i32
    %dma_wait3A_12 = tpu.memref_slice %arg6[%dma_wait3A_10, %dma_wait3A_11] : memref<512x64xf32, #tpu.memory_space<vmem>> -> memref<512x64xf32, #tpu.memory_space<vmem>>
    %dma_wait3A_13 = arith.constant 0 : i32
    %dma_wait3A_14 = tpu.memref_slice %arg5[%dma_wait3A, %dma_wait3A_13] : memref<50x512xi32, #tpu.memory_space<vmem>> -> memref<1x512xi32, #tpu.memory_space<vmem>>
    %dma_wait3A_15 = tpu.memref_squeeze %dma_wait3A_14 : memref<1x512xi32, #tpu.memory_space<vmem>> -> memref<512xi32, #tpu.memory_space<vmem>>
    %dma_wait3A_16 = arith.constant 0 : i32
    %dma_wait3A_17 = arith.constant 0 : i32
    %dma_wait3A_18 = tpu.memref_slice %arg3[%dma_wait3A_16, %dma_wait3A_17] : memref<100001x64xf32, #tpu.memory_space<hbm>> -> memref<100001x64xf32, #tpu.memory_space<hbm>>
    tpu.wait_indirect_dma semaphore(%arg10 : memref<!tpu.dma_semaphore, #tpu.memory_space<semaphore_mem>>) src(%dma_wait3A_18 : memref<100001x64xf32, #tpu.memory_space<hbm>>) dst(%dma_wait3A_12 : memref<512x64xf32, #tpu.memory_space<vmem>>)
    %dma_start3A_19 = arith.constant 1 : i32
    %dma_start3A_20 = arith.constant 0 : i32
    %dma_start3A_21 = arith.constant 0 : i32
    %dma_start3A_22 = tpu.memref_slice %arg6[%dma_start3A_20, %dma_start3A_21] : memref<512x64xf32, #tpu.memory_space<vmem>> -> memref<512x64xf32, #tpu.memory_space<vmem>>
    %dma_start3A_23 = arith.constant 0 : i32
    %dma_start3A_24 = tpu.memref_slice %arg5[%dma_start3A_19, %dma_start3A_23] : memref<50x512xi32, #tpu.memory_space<vmem>> -> memref<1x512xi32, #tpu.memory_space<vmem>>
    %dma_start3A_25 = tpu.memref_squeeze %dma_start3A_24 : memref<1x512xi32, #tpu.memory_space<vmem>> -> memref<512xi32, #tpu.memory_space<vmem>>
    %dma_start3A_26 = arith.constant 0 : i32
    %dma_start3A_27 = arith.constant 0 : i32
    %dma_start3A_28 = tpu.memref_slice %arg3[%dma_start3A_26, %dma_start3A_27] : memref<100001x64xf32, #tpu.memory_space<hbm>> -> memref<100001x64xf32, #tpu.memory_space<hbm>>
    tpu.enqueue_indirect_dma source(%dma_start3A_28 : memref<100001x64xf32, #tpu.memory_space<hbm>>) target(%dma_start3A_22 : memref<512x64xf32, #tpu.memory_space<vmem>>) offsets(%dma_start3A_25 : memref<512xi32, #tpu.memory_space<vmem>>) semaphore(%arg7 : memref<!tpu.dma_semaphore, #tpu.memory_space<semaphore_mem>>) {add = true}
    %dma_start3A_29 = arith.constant 2 : i32
    %dma_start3A_30 = arith.constant 0 : i32
    %dma_start3A_31 = arith.constant 0 : i32
    %dma_start3A_32 = tpu.memref_slice %arg6[%dma_start3A_30, %dma_start3A_31] : memref<512x64xf32, #tpu.memory_space<vmem>> -> memref<512x64xf32, #tpu.memory_space<vmem>>
    %dma_start3A_33 = arith.constant 0 : i32
    %dma_start3A_34 = tpu.memref_slice %arg5[%dma_start3A_29, %dma_start3A_33] : memref<50x512xi32, #tpu.memory_space<vmem>> -> memref<1x512xi32, #tpu.memory_space<vmem>>
    %dma_start3A_35 = tpu.memref_squeeze %dma_start3A_34 : memref<1x512xi32, #tpu.memory_space<vmem>> -> memref<512xi32, #tpu.memory_space<vmem>>
    %dma_start3A_36 = arith.constant 0 : i32
    %dma_start3A_37 = arith.constant 0 : i32
    %dma_start3A_38 = tpu.memref_slice %arg3[%dma_start3A_36, %dma_start3A_37] : memref<100001x64xf32, #tpu.memory_space<hbm>> -> memref<100001x64xf32, #tpu.memory_space<hbm>>
    tpu.enqueue_indirect_dma source(%dma_start3A_38 : memref<100001x64xf32, #tpu.memory_space<hbm>>) target(%dma_start3A_32 : memref<512x64xf32, #tpu.memory_space<vmem>>) offsets(%dma_start3A_35 : memref<512xi32, #tpu.memory_space<vmem>>) semaphore(%arg7 : memref<!tpu.dma_semaphore, #tpu.memory_space<semaphore_mem>>) {add = true}
    %dma_start3A_39 = arith.constant 3 : i32
    %dma_start3A_40 = arith.constant 0 : i32
    %dma_start3A_41 = arith.constant 0 : i32
    %dma_start3A_42 = tpu.memref_slice %arg6[%dma_start3A_40, %dma_start3A_41] : memref<512x64xf32, #tpu.memory_space<vmem>> -> memref<512x64xf32, #tpu.memory_space<vmem>>
    %dma_start3A_43 = arith.constant 0 : i32
    %dma_start3A_44 = tpu.memref_slice %arg5[%dma_start3A_39, %dma_start3A_43] : memref<50x512xi32, #tpu.memory_space<vmem>> -> memref<1x512xi32, #tpu.memory_space<vmem>>
    %dma_start3A_45 = tpu.memref_squeeze %dma_start3A_44 : memref<1x512xi32, #tpu.memory_space<vmem>> -> memref<512xi32, #tpu.memory_space<vmem>>
    %dma_start3A_46 = arith.constant 0 : i32
    %dma_start3A_47 = arith.constant 0 : i32
    %dma_start3A_48 = tpu.memref_slice %arg3[%dma_start3A_46, %dma_start3A_47] : memref<100001x64xf32, #tpu.memory_space<hbm>> -> memref<100001x64xf32, #tpu.memory_space<hbm>>
    tpu.enqueue_indirect_dma source(%dma_start3A_48 : memref<100001x64xf32, #tpu.memory_space<hbm>>) target(%dma_start3A_42 : memref<512x64xf32, #tpu.memory_space<vmem>>) offsets(%dma_start3A_45 : memref<512xi32, #tpu.memory_space<vmem>>) semaphore(%arg7 : memref<!tpu.dma_semaphore, #tpu.memory_space<semaphore_mem>>) {add = true}
    %dma_start3A_49 = arith.constant 4 : i32
    %dma_start3A_50 = arith.constant 0 : i32
    %dma_start3A_51 = arith.constant 0 : i32
    %dma_start3A_52 = tpu.memref_slice %arg6[%dma_start3A_50, %dma_start3A_51] : memref<512x64xf32, #tpu.memory_space<vmem>> -> memref<512x64xf32, #tpu.memory_space<vmem>>
    %dma_start3A_53 = arith.constant 0 : i32
    %dma_start3A_54 = tpu.memref_slice %arg5[%dma_start3A_49, %dma_start3A_53] : memref<50x512xi32, #tpu.memory_space<vmem>> -> memref<1x512xi32, #tpu.memory_space<vmem>>
    %dma_start3A_55 = tpu.memref_squeeze %dma_start3A_54 : memref<1x512xi32, #tpu.memory_space<vmem>> -> memref<512xi32, #tpu.memory_space<vmem>>
    %dma_start3A_56 = arith.constant 0 : i32
    %dma_start3A_57 = arith.constant 0 : i32
    %dma_start3A_58 = tpu.memref_slice %arg3[%dma_start3A_56, %dma_start3A_57] : memref<100001x64xf32, #tpu.memory_space<hbm>> -> memref<100001x64xf32, #tpu.memory_space<hbm>>
    tpu.enqueue_indirect_dma source(%dma_start3A_58 : memref<100001x64xf32, #tpu.memory_space<hbm>>) target(%dma_start3A_52 : memref<512x64xf32, #tpu.memory_space<vmem>>) offsets(%dma_start3A_55 : memref<512xi32, #tpu.memory_space<vmem>>) semaphore(%arg7 : memref<!tpu.dma_semaphore, #tpu.memory_space<semaphore_mem>>) {add = true}
    %dma_start3A_59 = arith.constant 5 : i32
    %dma_start3A_60 = arith.constant 0 : i32
    %dma_start3A_61 = arith.constant 0 : i32
    %dma_start3A_62 = tpu.memref_slice %arg6[%dma_start3A_60, %dma_start3A_61] : memref<512x64xf32, #tpu.memory_space<vmem>> -> memref<512x64xf32, #tpu.memory_space<vmem>>
    %dma_start3A_63 = arith.constant 0 : i32
    %dma_start3A_64 = tpu.memref_slice %arg5[%dma_start3A_59, %dma_start3A_63] : memref<50x512xi32, #tpu.memory_space<vmem>> -> memref<1x512xi32, #tpu.memory_space<vmem>>
    %dma_start3A_65 = tpu.memref_squeeze %dma_start3A_64 : memref<1x512xi32, #tpu.memory_space<vmem>> -> memref<512xi32, #tpu.memory_space<vmem>>
    %dma_start3A_66 = arith.constant 0 : i32
    %dma_start3A_67 = arith.constant 0 : i32
    %dma_start3A_68 = tpu.memref_slice %arg3[%dma_start3A_66, %dma_start3A_67] : memref<100001x64xf32, #tpu.memory_space<hbm>> -> memref<100001x64xf32, #tpu.memory_space<hbm>>
    tpu.enqueue_indirect_dma source(%dma_start3A_68 : memref<100001x64xf32, #tpu.memory_space<hbm>>) target(%dma_start3A_62 : memref<512x64xf32, #tpu.memory_space<vmem>>) offsets(%dma_start3A_65 : memref<512xi32, #tpu.memory_space<vmem>>) semaphore(%arg7 : memref<!tpu.dma_semaphore, #tpu.memory_space<semaphore_mem>>) {add = true}
    %dma_start3A_69 = arith.constant 6 : i32
    %dma_start3A_70 = arith.constant 0 : i32
    %dma_start3A_71 = arith.constant 0 : i32
    %dma_start3A_72 = tpu.memref_slice %arg6[%dma_start3A_70, %dma_start3A_71] : memref<512x64xf32, #tpu.memory_space<vmem>> -> memref<512x64xf32, #tpu.memory_space<vmem>>
    %dma_start3A_73 = arith.constant 0 : i32
    %dma_start3A_74 = tpu.memref_slice %arg5[%dma_start3A_69, %dma_start3A_73] : memref<50x512xi32, #tpu.memory_space<vmem>> -> memref<1x512xi32, #tpu.memory_space<vmem>>
    %dma_start3A_75 = tpu.memref_squeeze %dma_start3A_74 : memref<1x512xi32, #tpu.memory_space<vmem>> -> memref<512xi32, #tpu.memory_space<vmem>>
    %dma_start3A_76 = arith.constant 0 : i32
    %dma_start3A_77 = arith.constant 0 : i32
    %dma_start3A_78 = tpu.memref_slice %arg3[%dma_start3A_76, %dma_start3A_77] : memref<100001x64xf32, #tpu.memory_space<hbm>> -> memref<100001x64xf32, #tpu.memory_space<hbm>>
    tpu.enqueue_indirect_dma source(%dma_start3A_78 : memref<100001x64xf32, #tpu.memory_space<hbm>>) target(%dma_start3A_72 : memref<512x64xf32, #tpu.memory_space<vmem>>) offsets(%dma_start3A_75 : memref<512xi32, #tpu.memory_space<vmem>>) semaphore(%arg7 : memref<!tpu.dma_semaphore, #tpu.memory_space<semaphore_mem>>) {add = true}
    %dma_start3A_79 = arith.constant 7 : i32
    %dma_start3A_80 = arith.constant 0 : i32
    %dma_start3A_81 = arith.constant 0 : i32
    %dma_start3A_82 = tpu.memref_slice %arg6[%dma_start3A_80, %dma_start3A_81] : memref<512x64xf32, #tpu.memory_space<vmem>> -> memref<512x64xf32, #tpu.memory_space<vmem>>
    %dma_start3A_83 = arith.constant 0 : i32
    %dma_start3A_84 = tpu.memref_slice %arg5[%dma_start3A_79, %dma_start3A_83] : memref<50x512xi32, #tpu.memory_space<vmem>> -> memref<1x512xi32, #tpu.memory_space<vmem>>
    %dma_start3A_85 = tpu.memref_squeeze %dma_start3A_84 : memref<1x512xi32, #tpu.memory_space<vmem>> -> memref<512xi32, #tpu.memory_space<vmem>>
    %dma_start3A_86 = arith.constant 0 : i32
    %dma_start3A_87 = arith.constant 0 : i32
    %dma_start3A_88 = tpu.memref_slice %arg3[%dma_start3A_86, %dma_start3A_87] : memref<100001x64xf32, #tpu.memory_space<hbm>> -> memref<100001x64xf32, #tpu.memory_space<hbm>>
    tpu.enqueue_indirect_dma source(%dma_start3A_88 : memref<100001x64xf32, #tpu.memory_space<hbm>>) target(%dma_start3A_82 : memref<512x64xf32, #tpu.memory_space<vmem>>) offsets(%dma_start3A_85 : memref<512xi32, #tpu.memory_space<vmem>>) semaphore(%arg7 : memref<!tpu.dma_semaphore, #tpu.memory_space<semaphore_mem>>) {add = true}
    %dma_start3A_89 = arith.constant 8 : i32
    %dma_start3A_90 = arith.constant 0 : i32
    %dma_start3A_91 = arith.constant 0 : i32
    %dma_start3A_92 = tpu.memref_slice %arg6[%dma_start3A_90, %dma_start3A_91] : memref<512x64xf32, #tpu.memory_space<vmem>> -> memref<512x64xf32, #tpu.memory_space<vmem>>
    %dma_start3A_93 = arith.constant 0 : i32
    %dma_start3A_94 = tpu.memref_slice %arg5[%dma_start3A_89, %dma_start3A_93] : memref<50x512xi32, #tpu.memory_space<vmem>> -> memref<1x512xi32, #tpu.memory_space<vmem>>
    %dma_start3A_95 = tpu.memref_squeeze %dma_start3A_94 : memref<1x512xi32, #tpu.memory_space<vmem>> -> memref<512xi32, #tpu.memory_space<vmem>>
    %dma_start3A_96 = arith.constant 0 : i32
    %dma_start3A_97 = arith.constant 0 : i32
    %dma_start3A_98 = tpu.memref_slice %arg3[%dma_start3A_96, %dma_start3A_97] : memref<100001x64xf32, #tpu.memory_space<hbm>> -> memref<100001x64xf32, #tpu.memory_space<hbm>>
    tpu.enqueue_indirect_dma source(%dma_start3A_98 : memref<100001x64xf32, #tpu.memory_space<hbm>>) target(%dma_start3A_92 : memref<512x64xf32, #tpu.memory_space<vmem>>) offsets(%dma_start3A_95 : memref<512xi32, #tpu.memory_space<vmem>>) semaphore(%arg8 : memref<!tpu.dma_semaphore, #tpu.memory_space<semaphore_mem>>) {add = true}
    %dma_start3A_99 = arith.constant 9 : i32
    %dma_start3A_100 = arith.constant 0 : i32
    %dma_start3A_101 = arith.constant 0 : i32
    %dma_start3A_102 = tpu.memref_slice %arg6[%dma_start3A_100, %dma_start3A_101] : memref<512x64xf32, #tpu.memory_space<vmem>> -> memref<512x64xf32, #tpu.memory_space<vmem>>
    %dma_start3A_103 = arith.constant 0 : i32
    %dma_start3A_104 = tpu.memref_slice %arg5[%dma_start3A_99, %dma_start3A_103] : memref<50x512xi32, #tpu.memory_space<vmem>> -> memref<1x512xi32, #tpu.memory_space<vmem>>
    %dma_start3A_105 = tpu.memref_squeeze %dma_start3A_104 : memref<1x512xi32, #tpu.memory_space<vmem>> -> memref<512xi32, #tpu.memory_space<vmem>>
    %dma_start3A_106 = arith.constant 0 : i32
    %dma_start3A_107 = arith.constant 0 : i32
    %dma_start3A_108 = tpu.memref_slice %arg3[%dma_start3A_106, %dma_start3A_107] : memref<100001x64xf32, #tpu.memory_space<hbm>> -> memref<100001x64xf32, #tpu.memory_space<hbm>>
    tpu.enqueue_indirect_dma source(%dma_start3A_108 : memref<100001x64xf32, #tpu.memory_space<hbm>>) target(%dma_start3A_102 : memref<512x64xf32, #tpu.memory_space<vmem>>) offsets(%dma_start3A_105 : memref<512xi32, #tpu.memory_space<vmem>>) semaphore(%arg8 : memref<!tpu.dma_semaphore, #tpu.memory_space<semaphore_mem>>) {add = true}
    %dma_start3A_109 = arith.constant 10 : i32
    %dma_start3A_110 = arith.constant 0 : i32
    %dma_start3A_111 = arith.constant 0 : i32
    %dma_start3A_112 = tpu.memref_slice %arg6[%dma_start3A_110, %dma_start3A_111] : memref<512x64xf32, #tpu.memory_space<vmem>> -> memref<512x64xf32, #tpu.memory_space<vmem>>
    %dma_start3A_113 = arith.constant 0 : i32
    %dma_start3A_114 = tpu.memref_slice %arg5[%dma_start3A_109, %dma_start3A_113] : memref<50x512xi32, #tpu.memory_space<vmem>> -> memref<1x512xi32, #tpu.memory_space<vmem>>
    %dma_start3A_115 = tpu.memref_squeeze %dma_start3A_114 : memref<1x512xi32, #tpu.memory_space<vmem>> -> memref<512xi32, #tpu.memory_space<vmem>>
    %dma_start3A_116 = arith.constant 0 : i32
    %dma_start3A_117 = arith.constant 0 : i32
    %dma_start3A_118 = tpu.memref_slice %arg3[%dma_start3A_116, %dma_start3A_117] : memref<100001x64xf32, #tpu.memory_space<hbm>> -> memref<100001x64xf32, #tpu.memory_space<hbm>>
    tpu.enqueue_indirect_dma source(%dma_start3A_118 : memref<100001x64xf32, #tpu.memory_space<hbm>>) target(%dma_start3A_112 : memref<512x64xf32, #tpu.memory_space<vmem>>) offsets(%dma_start3A_115 : memref<512xi32, #tpu.memory_space<vmem>>) semaphore(%arg8 : memref<!tpu.dma_semaphore, #tpu.memory_space<semaphore_mem>>) {add = true}
    %dma_start3A_119 = arith.constant 11 : i32
    %dma_start3A_120 = arith.constant 0 : i32
    %dma_start3A_121 = arith.constant 0 : i32
    %dma_start3A_122 = tpu.memref_slice %arg6[%dma_start3A_120, %dma_start3A_121] : memref<512x64xf32, #tpu.memory_space<vmem>> -> memref<512x64xf32, #tpu.memory_space<vmem>>
    %dma_start3A_123 = arith.constant 0 : i32
    %dma_start3A_124 = tpu.memref_slice %arg5[%dma_start3A_119, %dma_start3A_123] : memref<50x512xi32, #tpu.memory_space<vmem>> -> memref<1x512xi32, #tpu.memory_space<vmem>>
    %dma_start3A_125 = tpu.memref_squeeze %dma_start3A_124 : memref<1x512xi32, #tpu.memory_space<vmem>> -> memref<512xi32, #tpu.memory_space<vmem>>
    %dma_start3A_126 = arith.constant 0 : i32
    %dma_start3A_127 = arith.constant 0 : i32
    %dma_start3A_128 = tpu.memref_slice %arg3[%dma_start3A_126, %dma_start3A_127] : memref<100001x64xf32, #tpu.memory_space<hbm>> -> memref<100001x64xf32, #tpu.memory_space<hbm>>
    tpu.enqueue_indirect_dma source(%dma_start3A_128 : memref<100001x64xf32, #tpu.memory_space<hbm>>) target(%dma_start3A_122 : memref<512x64xf32, #tpu.memory_space<vmem>>) offsets(%dma_start3A_125 : memref<512xi32, #tpu.memory_space<vmem>>) semaphore(%arg8 : memref<!tpu.dma_semaphore, #tpu.memory_space<semaphore_mem>>) {add = true}
    %dma_start3A_129 = arith.constant 12 : i32
    %dma_start3A_130 = arith.constant 0 : i32
    %dma_start3A_131 = arith.constant 0 : i32
    %dma_start3A_132 = tpu.memref_slice %arg6[%dma_start3A_130, %dma_start3A_131] : memref<512x64xf32, #tpu.memory_space<vmem>> -> memref<512x64xf32, #tpu.memory_space<vmem>>
    %dma_start3A_133 = arith.constant 0 : i32
    %dma_start3A_134 = tpu.memref_slice %arg5[%dma_start3A_129, %dma_start3A_133] : memref<50x512xi32, #tpu.memory_space<vmem>> -> memref<1x512xi32, #tpu.memory_space<vmem>>
    %dma_start3A_135 = tpu.memref_squeeze %dma_start3A_134 : memref<1x512xi32, #tpu.memory_space<vmem>> -> memref<512xi32, #tpu.memory_space<vmem>>
    %dma_start3A_136 = arith.constant 0 : i32
    %dma_start3A_137 = arith.constant 0 : i32
    %dma_start3A_138 = tpu.memref_slice %arg3[%dma_start3A_136, %dma_start3A_137] : memref<100001x64xf32, #tpu.memory_space<hbm>> -> memref<100001x64xf32, #tpu.memory_space<hbm>>
    tpu.enqueue_indirect_dma source(%dma_start3A_138 : memref<100001x64xf32, #tpu.memory_space<hbm>>) target(%dma_start3A_132 : memref<512x64xf32, #tpu.memory_space<vmem>>) offsets(%dma_start3A_135 : memref<512xi32, #tpu.memory_space<vmem>>) semaphore(%arg8 : memref<!tpu.dma_semaphore, #tpu.memory_space<semaphore_mem>>) {add = true}
    %dma_start3A_139 = arith.constant 13 : i32
    %dma_start3A_140 = arith.constant 0 : i32
    %dma_start3A_141 = arith.constant 0 : i32
    %dma_start3A_142 = tpu.memref_slice %arg6[%dma_start3A_140, %dma_start3A_141] : memref<512x64xf32, #tpu.memory_space<vmem>> -> memref<512x64xf32, #tpu.memory_space<vmem>>
    %dma_start3A_143 = arith.constant 0 : i32
    %dma_start3A_144 = tpu.memref_slice %arg5[%dma_start3A_139, %dma_start3A_143] : memref<50x512xi32, #tpu.memory_space<vmem>> -> memref<1x512xi32, #tpu.memory_space<vmem>>
    %dma_start3A_145 = tpu.memref_squeeze %dma_start3A_144 : memref<1x512xi32, #tpu.memory_space<vmem>> -> memref<512xi32, #tpu.memory_space<vmem>>
    %dma_start3A_146 = arith.constant 0 : i32
    %dma_start3A_147 = arith.constant 0 : i32
    %dma_start3A_148 = tpu.memref_slice %arg3[%dma_start3A_146, %dma_start3A_147] : memref<100001x64xf32, #tpu.memory_space<hbm>> -> memref<100001x64xf32, #tpu.memory_space<hbm>>
    tpu.enqueue_indirect_dma source(%dma_start3A_148 : memref<100001x64xf32, #tpu.memory_space<hbm>>) target(%dma_start3A_142 : memref<512x64xf32, #tpu.memory_space<vmem>>) offsets(%dma_start3A_145 : memref<512xi32, #tpu.memory_space<vmem>>) semaphore(%arg8 : memref<!tpu.dma_semaphore, #tpu.memory_space<semaphore_mem>>) {add = true}
    %dma_start3A_149 = arith.constant 14 : i32
    %dma_start3A_150 = arith.constant 0 : i32
    %dma_start3A_151 = arith.constant 0 : i32
    %dma_start3A_152 = tpu.memref_slice %arg6[%dma_start3A_150, %dma_start3A_151] : memref<512x64xf32, #tpu.memory_space<vmem>> -> memref<512x64xf32, #tpu.memory_space<vmem>>
    %dma_start3A_153 = arith.constant 0 : i32
    %dma_start3A_154 = tpu.memref_slice %arg5[%dma_start3A_149, %dma_start3A_153] : memref<50x512xi32, #tpu.memory_space<vmem>> -> memref<1x512xi32, #tpu.memory_space<vmem>>
    %dma_start3A_155 = tpu.memref_squeeze %dma_start3A_154 : memref<1x512xi32, #tpu.memory_space<vmem>> -> memref<512xi32, #tpu.memory_space<vmem>>
    %dma_start3A_156 = arith.constant 0 : i32
    %dma_start3A_157 = arith.constant 0 : i32
    %dma_start3A_158 = tpu.memref_slice %arg3[%dma_start3A_156, %dma_start3A_157] : memref<100001x64xf32, #tpu.memory_space<hbm>> -> memref<100001x64xf32, #tpu.memory_space<hbm>>
    tpu.enqueue_indirect_dma source(%dma_start3A_158 : memref<100001x64xf32, #tpu.memory_space<hbm>>) target(%dma_start3A_152 : memref<512x64xf32, #tpu.memory_space<vmem>>) offsets(%dma_start3A_155 : memref<512xi32, #tpu.memory_space<vmem>>) semaphore(%arg8 : memref<!tpu.dma_semaphore, #tpu.memory_space<semaphore_mem>>) {add = true}
    %dma_start3A_159 = arith.constant 15 : i32
    %dma_start3A_160 = arith.constant 0 : i32
    %dma_start3A_161 = arith.constant 0 : i32
    %dma_start3A_162 = tpu.memref_slice %arg6[%dma_start3A_160, %dma_start3A_161] : memref<512x64xf32, #tpu.memory_space<vmem>> -> memref<512x64xf32, #tpu.memory_space<vmem>>
    %dma_start3A_163 = arith.constant 0 : i32
    %dma_start3A_164 = tpu.memref_slice %arg5[%dma_start3A_159, %dma_start3A_163] : memref<50x512xi32, #tpu.memory_space<vmem>> -> memref<1x512xi32, #tpu.memory_space<vmem>>
    %dma_start3A_165 = tpu.memref_squeeze %dma_start3A_164 : memref<1x512xi32, #tpu.memory_space<vmem>> -> memref<512xi32, #tpu.memory_space<vmem>>
    %dma_start3A_166 = arith.constant 0 : i32
    %dma_start3A_167 = arith.constant 0 : i32
    %dma_start3A_168 = tpu.memref_slice %arg3[%dma_start3A_166, %dma_start3A_167] : memref<100001x64xf32, #tpu.memory_space<hbm>> -> memref<100001x64xf32, #tpu.memory_space<hbm>>
    tpu.enqueue_indirect_dma source(%dma_start3A_168 : memref<100001x64xf32, #tpu.memory_space<hbm>>) target(%dma_start3A_162 : memref<512x64xf32, #tpu.memory_space<vmem>>) offsets(%dma_start3A_165 : memref<512xi32, #tpu.memory_space<vmem>>) semaphore(%arg9 : memref<!tpu.dma_semaphore, #tpu.memory_space<semaphore_mem>>) {add = true}
    %dma_start3A_169 = arith.constant 16 : i32
    %dma_start3A_170 = arith.constant 0 : i32
    %dma_start3A_171 = arith.constant 0 : i32
    %dma_start3A_172 = tpu.memref_slice %arg6[%dma_start3A_170, %dma_start3A_171] : memref<512x64xf32, #tpu.memory_space<vmem>> -> memref<512x64xf32, #tpu.memory_space<vmem>>
    %dma_start3A_173 = arith.constant 0 : i32
    %dma_start3A_174 = tpu.memref_slice %arg5[%dma_start3A_169, %dma_start3A_173] : memref<50x512xi32, #tpu.memory_space<vmem>> -> memref<1x512xi32, #tpu.memory_space<vmem>>
    %dma_start3A_175 = tpu.memref_squeeze %dma_start3A_174 : memref<1x512xi32, #tpu.memory_space<vmem>> -> memref<512xi32, #tpu.memory_space<vmem>>
    %dma_start3A_176 = arith.constant 0 : i32
    %dma_start3A_177 = arith.constant 0 : i32
    %dma_start3A_178 = tpu.memref_slice %arg3[%dma_start3A_176, %dma_start3A_177] : memref<100001x64xf32, #tpu.memory_space<hbm>> -> memref<100001x64xf32, #tpu.memory_space<hbm>>
    tpu.enqueue_indirect_dma source(%dma_start3A_178 : memref<100001x64xf32, #tpu.memory_space<hbm>>) target(%dma_start3A_172 : memref<512x64xf32, #tpu.memory_space<vmem>>) offsets(%dma_start3A_175 : memref<512xi32, #tpu.memory_space<vmem>>) semaphore(%arg9 : memref<!tpu.dma_semaphore, #tpu.memory_space<semaphore_mem>>) {add = true}
    %dma_start3A_179 = arith.constant 17 : i32
    %dma_start3A_180 = arith.constant 0 : i32
    %dma_start3A_181 = arith.constant 0 : i32
    %dma_start3A_182 = tpu.memref_slice %arg6[%dma_start3A_180, %dma_start3A_181] : memref<512x64xf32, #tpu.memory_space<vmem>> -> memref<512x64xf32, #tpu.memory_space<vmem>>
    %dma_start3A_183 = arith.constant 0 : i32
    %dma_start3A_184 = tpu.memref_slice %arg5[%dma_start3A_179, %dma_start3A_183] : memref<50x512xi32, #tpu.memory_space<vmem>> -> memref<1x512xi32, #tpu.memory_space<vmem>>
    %dma_start3A_185 = tpu.memref_squeeze %dma_start3A_184 : memref<1x512xi32, #tpu.memory_space<vmem>> -> memref<512xi32, #tpu.memory_space<vmem>>
    %dma_start3A_186 = arith.constant 0 : i32
    %dma_start3A_187 = arith.constant 0 : i32
    %dma_start3A_188 = tpu.memref_slice %arg3[%dma_start3A_186, %dma_start3A_187] : memref<100001x64xf32, #tpu.memory_space<hbm>> -> memref<100001x64xf32, #tpu.memory_space<hbm>>
    tpu.enqueue_indirect_dma source(%dma_start3A_188 : memref<100001x64xf32, #tpu.memory_space<hbm>>) target(%dma_start3A_182 : memref<512x64xf32, #tpu.memory_space<vmem>>) offsets(%dma_start3A_185 : memref<512xi32, #tpu.memory_space<vmem>>) semaphore(%arg9 : memref<!tpu.dma_semaphore, #tpu.memory_space<semaphore_mem>>) {add = true}
    %dma_start3A_189 = arith.constant 18 : i32
    %dma_start3A_190 = arith.constant 0 : i32
    %dma_start3A_191 = arith.constant 0 : i32
    %dma_start3A_192 = tpu.memref_slice %arg6[%dma_start3A_190, %dma_start3A_191] : memref<512x64xf32, #tpu.memory_space<vmem>> -> memref<512x64xf32, #tpu.memory_space<vmem>>
    %dma_start3A_193 = arith.constant 0 : i32
    %dma_start3A_194 = tpu.memref_slice %arg5[%dma_start3A_189, %dma_start3A_193] : memref<50x512xi32, #tpu.memory_space<vmem>> -> memref<1x512xi32, #tpu.memory_space<vmem>>
    %dma_start3A_195 = tpu.memref_squeeze %dma_start3A_194 : memref<1x512xi32, #tpu.memory_space<vmem>> -> memref<512xi32, #tpu.memory_space<vmem>>
    %dma_start3A_196 = arith.constant 0 : i32
    %dma_start3A_197 = arith.constant 0 : i32
    %dma_start3A_198 = tpu.memref_slice %arg3[%dma_start3A_196, %dma_start3A_197] : memref<100001x64xf32, #tpu.memory_space<hbm>> -> memref<100001x64xf32, #tpu.memory_space<hbm>>
    tpu.enqueue_indirect_dma source(%dma_start3A_198 : memref<100001x64xf32, #tpu.memory_space<hbm>>) target(%dma_start3A_192 : memref<512x64xf32, #tpu.memory_space<vmem>>) offsets(%dma_start3A_195 : memref<512xi32, #tpu.memory_space<vmem>>) semaphore(%arg9 : memref<!tpu.dma_semaphore, #tpu.memory_space<semaphore_mem>>) {add = true}
    %dma_start3A_199 = arith.constant 19 : i32
    %dma_start3A_200 = arith.constant 0 : i32
    %dma_start3A_201 = arith.constant 0 : i32
    %dma_start3A_202 = tpu.memref_slice %arg6[%dma_start3A_200, %dma_start3A_201] : memref<512x64xf32, #tpu.memory_space<vmem>> -> memref<512x64xf32, #tpu.memory_space<vmem>>
    %dma_start3A_203 = arith.constant 0 : i32
    %dma_start3A_204 = tpu.memref_slice %arg5[%dma_start3A_199, %dma_start3A_203] : memref<50x512xi32, #tpu.memory_space<vmem>> -> memref<1x512xi32, #tpu.memory_space<vmem>>
    %dma_start3A_205 = tpu.memref_squeeze %dma_start3A_204 : memref<1x512xi32, #tpu.memory_space<vmem>> -> memref<512xi32, #tpu.memory_space<vmem>>
    %dma_start3A_206 = arith.constant 0 : i32
    %dma_start3A_207 = arith.constant 0 : i32
    %dma_start3A_208 = tpu.memref_slice %arg3[%dma_start3A_206, %dma_start3A_207] : memref<100001x64xf32, #tpu.memory_space<hbm>> -> memref<100001x64xf32, #tpu.memory_space<hbm>>
    tpu.enqueue_indirect_dma source(%dma_start3A_208 : memref<100001x64xf32, #tpu.memory_space<hbm>>) target(%dma_start3A_202 : memref<512x64xf32, #tpu.memory_space<vmem>>) offsets(%dma_start3A_205 : memref<512xi32, #tpu.memory_space<vmem>>) semaphore(%arg9 : memref<!tpu.dma_semaphore, #tpu.memory_space<semaphore_mem>>) {add = true}
    %dma_start3A_209 = arith.constant 20 : i32
    %dma_start3A_210 = arith.constant 0 : i32
    %dma_start3A_211 = arith.constant 0 : i32
    %dma_start3A_212 = tpu.memref_slice %arg6[%dma_start3A_210, %dma_start3A_211] : memref<512x64xf32, #tpu.memory_space<vmem>> -> memref<512x64xf32, #tpu.memory_space<vmem>>
    %dma_start3A_213 = arith.constant 0 : i32
    %dma_start3A_214 = tpu.memref_slice %arg5[%dma_start3A_209, %dma_start3A_213] : memref<50x512xi32, #tpu.memory_space<vmem>> -> memref<1x512xi32, #tpu.memory_space<vmem>>
    %dma_start3A_215 = tpu.memref_squeeze %dma_start3A_214 : memref<1x512xi32, #tpu.memory_space<vmem>> -> memref<512xi32, #tpu.memory_space<vmem>>
    %dma_start3A_216 = arith.constant 0 : i32
    %dma_start3A_217 = arith.constant 0 : i32
    %dma_start3A_218 = tpu.memref_slice %arg3[%dma_start3A_216, %dma_start3A_217] : memref<100001x64xf32, #tpu.memory_space<hbm>> -> memref<100001x64xf32, #tpu.memory_space<hbm>>
    tpu.enqueue_indirect_dma source(%dma_start3A_218 : memref<100001x64xf32, #tpu.memory_space<hbm>>) target(%dma_start3A_212 : memref<512x64xf32, #tpu.memory_space<vmem>>) offsets(%dma_start3A_215 : memref<512xi32, #tpu.memory_space<vmem>>) semaphore(%arg9 : memref<!tpu.dma_semaphore, #tpu.memory_space<semaphore_mem>>) {add = true}
    %dma_start3A_219 = arith.constant 21 : i32
    %dma_start3A_220 = arith.constant 0 : i32
    %dma_start3A_221 = arith.constant 0 : i32
    %dma_start3A_222 = tpu.memref_slice %arg6[%dma_start3A_220, %dma_start3A_221] : memref<512x64xf32, #tpu.memory_space<vmem>> -> memref<512x64xf32, #tpu.memory_space<vmem>>
    %dma_start3A_223 = arith.constant 0 : i32
    %dma_start3A_224 = tpu.memref_slice %arg5[%dma_start3A_219, %dma_start3A_223] : memref<50x512xi32, #tpu.memory_space<vmem>> -> memref<1x512xi32, #tpu.memory_space<vmem>>
    %dma_start3A_225 = tpu.memref_squeeze %dma_start3A_224 : memref<1x512xi32, #tpu.memory_space<vmem>> -> memref<512xi32, #tpu.memory_space<vmem>>
    %dma_start3A_226 = arith.constant 0 : i32
    %dma_start3A_227 = arith.constant 0 : i32
    %dma_start3A_228 = tpu.memref_slice %arg3[%dma_start3A_226, %dma_start3A_227] : memref<100001x64xf32, #tpu.memory_space<hbm>> -> memref<100001x64xf32, #tpu.memory_space<hbm>>
    tpu.enqueue_indirect_dma source(%dma_start3A_228 : memref<100001x64xf32, #tpu.memory_space<hbm>>) target(%dma_start3A_222 : memref<512x64xf32, #tpu.memory_space<vmem>>) offsets(%dma_start3A_225 : memref<512xi32, #tpu.memory_space<vmem>>) semaphore(%arg9 : memref<!tpu.dma_semaphore, #tpu.memory_space<semaphore_mem>>) {add = true}
    %dma_wait3A_229 = arith.constant 1 : i32
    %dma_wait3A_230 = arith.constant 0 : i32
    %dma_wait3A_231 = arith.constant 0 : i32
    %dma_wait3A_232 = tpu.memref_slice %arg6[%dma_wait3A_230, %dma_wait3A_231] : memref<512x64xf32, #tpu.memory_space<vmem>> -> memref<512x64xf32, #tpu.memory_space<vmem>>
    %dma_wait3A_233 = arith.constant 0 : i32
    %dma_wait3A_234 = tpu.memref_slice %arg5[%dma_wait3A_229, %dma_wait3A_233] : memref<50x512xi32, #tpu.memory_space<vmem>> -> memref<1x512xi32, #tpu.memory_space<vmem>>
    %dma_wait3A_235 = tpu.memref_squeeze %dma_wait3A_234 : memref<1x512xi32, #tpu.memory_space<vmem>> -> memref<512xi32, #tpu.memory_space<vmem>>
    %dma_wait3A_236 = arith.constant 0 : i32
    %dma_wait3A_237 = arith.constant 0 : i32
    %dma_wait3A_238 = tpu.memref_slice %arg3[%dma_wait3A_236, %dma_wait3A_237] : memref<100001x64xf32, #tpu.memory_space<hbm>> -> memref<100001x64xf32, #tpu.memory_space<hbm>>
    tpu.wait_indirect_dma semaphore(%arg7 : memref<!tpu.dma_semaphore, #tpu.memory_space<semaphore_mem>>) src(%dma_wait3A_238 : memref<100001x64xf32, #tpu.memory_space<hbm>>) dst(%dma_wait3A_232 : memref<512x64xf32, #tpu.memory_space<vmem>>)
    %dma_wait3A_239 = arith.constant 2 : i32
    %dma_wait3A_240 = arith.constant 0 : i32
    %dma_wait3A_241 = arith.constant 0 : i32
    %dma_wait3A_242 = tpu.memref_slice %arg6[%dma_wait3A_240, %dma_wait3A_241] : memref<512x64xf32, #tpu.memory_space<vmem>> -> memref<512x64xf32, #tpu.memory_space<vmem>>
    %dma_wait3A_243 = arith.constant 0 : i32
    %dma_wait3A_244 = tpu.memref_slice %arg5[%dma_wait3A_239, %dma_wait3A_243] : memref<50x512xi32, #tpu.memory_space<vmem>> -> memref<1x512xi32, #tpu.memory_space<vmem>>
    %dma_wait3A_245 = tpu.memref_squeeze %dma_wait3A_244 : memref<1x512xi32, #tpu.memory_space<vmem>> -> memref<512xi32, #tpu.memory_space<vmem>>
    %dma_wait3A_246 = arith.constant 0 : i32
    %dma_wait3A_247 = arith.constant 0 : i32
    %dma_wait3A_248 = tpu.memref_slice %arg3[%dma_wait3A_246, %dma_wait3A_247] : memref<100001x64xf32, #tpu.memory_space<hbm>> -> memref<100001x64xf32, #tpu.memory_space<hbm>>
    tpu.wait_indirect_dma semaphore(%arg7 : memref<!tpu.dma_semaphore, #tpu.memory_space<semaphore_mem>>) src(%dma_wait3A_248 : memref<100001x64xf32, #tpu.memory_space<hbm>>) dst(%dma_wait3A_242 : memref<512x64xf32, #tpu.memory_space<vmem>>)
    %dma_wait3A_249 = arith.constant 3 : i32
    %dma_wait3A_250 = arith.constant 0 : i32
    %dma_wait3A_251 = arith.constant 0 : i32
    %dma_wait3A_252 = tpu.memref_slice %arg6[%dma_wait3A_250, %dma_wait3A_251] : memref<512x64xf32, #tpu.memory_space<vmem>> -> memref<512x64xf32, #tpu.memory_space<vmem>>
    %dma_wait3A_253 = arith.constant 0 : i32
    %dma_wait3A_254 = tpu.memref_slice %arg5[%dma_wait3A_249, %dma_wait3A_253] : memref<50x512xi32, #tpu.memory_space<vmem>> -> memref<1x512xi32, #tpu.memory_space<vmem>>
    %dma_wait3A_255 = tpu.memref_squeeze %dma_wait3A_254 : memref<1x512xi32, #tpu.memory_space<vmem>> -> memref<512xi32, #tpu.memory_space<vmem>>
    %dma_wait3A_256 = arith.constant 0 : i32
    %dma_wait3A_257 = arith.constant 0 : i32
    %dma_wait3A_258 = tpu.memref_slice %arg3[%dma_wait3A_256, %dma_wait3A_257] : memref<100001x64xf32, #tpu.memory_space<hbm>> -> memref<100001x64xf32, #tpu.memory_space<hbm>>
    tpu.wait_indirect_dma semaphore(%arg7 : memref<!tpu.dma_semaphore, #tpu.memory_space<semaphore_mem>>) src(%dma_wait3A_258 : memref<100001x64xf32, #tpu.memory_space<hbm>>) dst(%dma_wait3A_252 : memref<512x64xf32, #tpu.memory_space<vmem>>)
    %dma_wait3A_259 = arith.constant 4 : i32
    %dma_wait3A_260 = arith.constant 0 : i32
    %dma_wait3A_261 = arith.constant 0 : i32
    %dma_wait3A_262 = tpu.memref_slice %arg6[%dma_wait3A_260, %dma_wait3A_261] : memref<512x64xf32, #tpu.memory_space<vmem>> -> memref<512x64xf32, #tpu.memory_space<vmem>>
    %dma_wait3A_263 = arith.constant 0 : i32
    %dma_wait3A_264 = tpu.memref_slice %arg5[%dma_wait3A_259, %dma_wait3A_263] : memref<50x512xi32, #tpu.memory_space<vmem>> -> memref<1x512xi32, #tpu.memory_space<vmem>>
    %dma_wait3A_265 = tpu.memref_squeeze %dma_wait3A_264 : memref<1x512xi32, #tpu.memory_space<vmem>> -> memref<512xi32, #tpu.memory_space<vmem>>
    %dma_wait3A_266 = arith.constant 0 : i32
    %dma_wait3A_267 = arith.constant 0 : i32
    %dma_wait3A_268 = tpu.memref_slice %arg3[%dma_wait3A_266, %dma_wait3A_267] : memref<100001x64xf32, #tpu.memory_space<hbm>> -> memref<100001x64xf32, #tpu.memory_space<hbm>>
    tpu.wait_indirect_dma semaphore(%arg7 : memref<!tpu.dma_semaphore, #tpu.memory_space<semaphore_mem>>) src(%dma_wait3A_268 : memref<100001x64xf32, #tpu.memory_space<hbm>>) dst(%dma_wait3A_262 : memref<512x64xf32, #tpu.memory_space<vmem>>)
    %dma_wait3A_269 = arith.constant 5 : i32
    %dma_wait3A_270 = arith.constant 0 : i32
    %dma_wait3A_271 = arith.constant 0 : i32
    %dma_wait3A_272 = tpu.memref_slice %arg6[%dma_wait3A_270, %dma_wait3A_271] : memref<512x64xf32, #tpu.memory_space<vmem>> -> memref<512x64xf32, #tpu.memory_space<vmem>>
    %dma_wait3A_273 = arith.constant 0 : i32
    %dma_wait3A_274 = tpu.memref_slice %arg5[%dma_wait3A_269, %dma_wait3A_273] : memref<50x512xi32, #tpu.memory_space<vmem>> -> memref<1x512xi32, #tpu.memory_space<vmem>>
    %dma_wait3A_275 = tpu.memref_squeeze %dma_wait3A_274 : memref<1x512xi32, #tpu.memory_space<vmem>> -> memref<512xi32, #tpu.memory_space<vmem>>
    %dma_wait3A_276 = arith.constant 0 : i32
    %dma_wait3A_277 = arith.constant 0 : i32
    %dma_wait3A_278 = tpu.memref_slice %arg3[%dma_wait3A_276, %dma_wait3A_277] : memref<100001x64xf32, #tpu.memory_space<hbm>> -> memref<100001x64xf32, #tpu.memory_space<hbm>>
    tpu.wait_indirect_dma semaphore(%arg7 : memref<!tpu.dma_semaphore, #tpu.memory_space<semaphore_mem>>) src(%dma_wait3A_278 : memref<100001x64xf32, #tpu.memory_space<hbm>>) dst(%dma_wait3A_272 : memref<512x64xf32, #tpu.memory_space<vmem>>)
    %dma_wait3A_279 = arith.constant 6 : i32
    %dma_wait3A_280 = arith.constant 0 : i32
    %dma_wait3A_281 = arith.constant 0 : i32
    %dma_wait3A_282 = tpu.memref_slice %arg6[%dma_wait3A_280, %dma_wait3A_281] : memref<512x64xf32, #tpu.memory_space<vmem>> -> memref<512x64xf32, #tpu.memory_space<vmem>>
    %dma_wait3A_283 = arith.constant 0 : i32
    %dma_wait3A_284 = tpu.memref_slice %arg5[%dma_wait3A_279, %dma_wait3A_283] : memref<50x512xi32, #tpu.memory_space<vmem>> -> memref<1x512xi32, #tpu.memory_space<vmem>>
    %dma_wait3A_285 = tpu.memref_squeeze %dma_wait3A_284 : memref<1x512xi32, #tpu.memory_space<vmem>> -> memref<512xi32, #tpu.memory_space<vmem>>
    %dma_wait3A_286 = arith.constant 0 : i32
    %dma_wait3A_287 = arith.constant 0 : i32
    %dma_wait3A_288 = tpu.memref_slice %arg3[%dma_wait3A_286, %dma_wait3A_287] : memref<100001x64xf32, #tpu.memory_space<hbm>> -> memref<100001x64xf32, #tpu.memory_space<hbm>>
    tpu.wait_indirect_dma semaphore(%arg7 : memref<!tpu.dma_semaphore, #tpu.memory_space<semaphore_mem>>) src(%dma_wait3A_288 : memref<100001x64xf32, #tpu.memory_space<hbm>>) dst(%dma_wait3A_282 : memref<512x64xf32, #tpu.memory_space<vmem>>)
    %dma_wait3A_289 = arith.constant 7 : i32
    %dma_wait3A_290 = arith.constant 0 : i32
    %dma_wait3A_291 = arith.constant 0 : i32
    %dma_wait3A_292 = tpu.memref_slice %arg6[%dma_wait3A_290, %dma_wait3A_291] : memref<512x64xf32, #tpu.memory_space<vmem>> -> memref<512x64xf32, #tpu.memory_space<vmem>>
    %dma_wait3A_293 = arith.constant 0 : i32
    %dma_wait3A_294 = tpu.memref_slice %arg5[%dma_wait3A_289, %dma_wait3A_293] : memref<50x512xi32, #tpu.memory_space<vmem>> -> memref<1x512xi32, #tpu.memory_space<vmem>>
    %dma_wait3A_295 = tpu.memref_squeeze %dma_wait3A_294 : memref<1x512xi32, #tpu.memory_space<vmem>> -> memref<512xi32, #tpu.memory_space<vmem>>
    %dma_wait3A_296 = arith.constant 0 : i32
    %dma_wait3A_297 = arith.constant 0 : i32
    %dma_wait3A_298 = tpu.memref_slice %arg3[%dma_wait3A_296, %dma_wait3A_297] : memref<100001x64xf32, #tpu.memory_space<hbm>> -> memref<100001x64xf32, #tpu.memory_space<hbm>>
    tpu.wait_indirect_dma semaphore(%arg7 : memref<!tpu.dma_semaphore, #tpu.memory_space<semaphore_mem>>) src(%dma_wait3A_298 : memref<100001x64xf32, #tpu.memory_space<hbm>>) dst(%dma_wait3A_292 : memref<512x64xf32, #tpu.memory_space<vmem>>)
    %dma_start3A_299 = arith.constant 22 : i32
    %dma_start3A_300 = arith.constant 0 : i32
    %dma_start3A_301 = arith.constant 0 : i32
    %dma_start3A_302 = tpu.memref_slice %arg6[%dma_start3A_300, %dma_start3A_301] : memref<512x64xf32, #tpu.memory_space<vmem>> -> memref<512x64xf32, #tpu.memory_space<vmem>>
    %dma_start3A_303 = arith.constant 0 : i32
    %dma_start3A_304 = tpu.memref_slice %arg5[%dma_start3A_299, %dma_start3A_303] : memref<50x512xi32, #tpu.memory_space<vmem>> -> memref<1x512xi32, #tpu.memory_space<vmem>>
    %dma_start3A_305 = tpu.memref_squeeze %dma_start3A_304 : memref<1x512xi32, #tpu.memory_space<vmem>> -> memref<512xi32, #tpu.memory_space<vmem>>
    %dma_start3A_306 = arith.constant 0 : i32
    %dma_start3A_307 = arith.constant 0 : i32
    %dma_start3A_308 = tpu.memref_slice %arg3[%dma_start3A_306, %dma_start3A_307] : memref<100001x64xf32, #tpu.memory_space<hbm>> -> memref<100001x64xf32, #tpu.memory_space<hbm>>
    tpu.enqueue_indirect_dma source(%dma_start3A_308 : memref<100001x64xf32, #tpu.memory_space<hbm>>) target(%dma_start3A_302 : memref<512x64xf32, #tpu.memory_space<vmem>>) offsets(%dma_start3A_305 : memref<512xi32, #tpu.memory_space<vmem>>) semaphore(%arg7 : memref<!tpu.dma_semaphore, #tpu.memory_space<semaphore_mem>>) {add = true}
    %dma_start3A_309 = arith.constant 23 : i32
    %dma_start3A_310 = arith.constant 0 : i32
    %dma_start3A_311 = arith.constant 0 : i32
    %dma_start3A_312 = tpu.memref_slice %arg6[%dma_start3A_310, %dma_start3A_311] : memref<512x64xf32, #tpu.memory_space<vmem>> -> memref<512x64xf32, #tpu.memory_space<vmem>>
    %dma_start3A_313 = arith.constant 0 : i32
    %dma_start3A_314 = tpu.memref_slice %arg5[%dma_start3A_309, %dma_start3A_313] : memref<50x512xi32, #tpu.memory_space<vmem>> -> memref<1x512xi32, #tpu.memory_space<vmem>>
    %dma_start3A_315 = tpu.memref_squeeze %dma_start3A_314 : memref<1x512xi32, #tpu.memory_space<vmem>> -> memref<512xi32, #tpu.memory_space<vmem>>
    %dma_start3A_316 = arith.constant 0 : i32
    %dma_start3A_317 = arith.constant 0 : i32
    %dma_start3A_318 = tpu.memref_slice %arg3[%dma_start3A_316, %dma_start3A_317] : memref<100001x64xf32, #tpu.memory_space<hbm>> -> memref<100001x64xf32, #tpu.memory_space<hbm>>
    tpu.enqueue_indirect_dma source(%dma_start3A_318 : memref<100001x64xf32, #tpu.memory_space<hbm>>) target(%dma_start3A_312 : memref<512x64xf32, #tpu.memory_space<vmem>>) offsets(%dma_start3A_315 : memref<512xi32, #tpu.memory_space<vmem>>) semaphore(%arg7 : memref<!tpu.dma_semaphore, #tpu.memory_space<semaphore_mem>>) {add = true}
    %dma_start3A_319 = arith.constant 24 : i32
    %dma_start3A_320 = arith.constant 0 : i32
    %dma_start3A_321 = arith.constant 0 : i32
    %dma_start3A_322 = tpu.memref_slice %arg6[%dma_start3A_320, %dma_start3A_321] : memref<512x64xf32, #tpu.memory_space<vmem>> -> memref<512x64xf32, #tpu.memory_space<vmem>>
    %dma_start3A_323 = arith.constant 0 : i32
    %dma_start3A_324 = tpu.memref_slice %arg5[%dma_start3A_319, %dma_start3A_323] : memref<50x512xi32, #tpu.memory_space<vmem>> -> memref<1x512xi32, #tpu.memory_space<vmem>>
    %dma_start3A_325 = tpu.memref_squeeze %dma_start3A_324 : memref<1x512xi32, #tpu.memory_space<vmem>> -> memref<512xi32, #tpu.memory_space<vmem>>
    %dma_start3A_326 = arith.constant 0 : i32
    %dma_start3A_327 = arith.constant 0 : i32
    %dma_start3A_328 = tpu.memref_slice %arg3[%dma_start3A_326, %dma_start3A_327] : memref<100001x64xf32, #tpu.memory_space<hbm>> -> memref<100001x64xf32, #tpu.memory_space<hbm>>
    tpu.enqueue_indirect_dma source(%dma_start3A_328 : memref<100001x64xf32, #tpu.memory_space<hbm>>) target(%dma_start3A_322 : memref<512x64xf32, #tpu.memory_space<vmem>>) offsets(%dma_start3A_325 : memref<512xi32, #tpu.memory_space<vmem>>) semaphore(%arg7 : memref<!tpu.dma_semaphore, #tpu.memory_space<semaphore_mem>>) {add = true}
    %dma_start3A_329 = arith.constant 25 : i32
    %dma_start3A_330 = arith.constant 0 : i32
    %dma_start3A_331 = arith.constant 0 : i32
    %dma_start3A_332 = tpu.memref_slice %arg6[%dma_start3A_330, %dma_start3A_331] : memref<512x64xf32, #tpu.memory_space<vmem>> -> memref<512x64xf32, #tpu.memory_space<vmem>>
    %dma_start3A_333 = arith.constant 0 : i32
    %dma_start3A_334 = tpu.memref_slice %arg5[%dma_start3A_329, %dma_start3A_333] : memref<50x512xi32, #tpu.memory_space<vmem>> -> memref<1x512xi32, #tpu.memory_space<vmem>>
    %dma_start3A_335 = tpu.memref_squeeze %dma_start3A_334 : memref<1x512xi32, #tpu.memory_space<vmem>> -> memref<512xi32, #tpu.memory_space<vmem>>
    %dma_start3A_336 = arith.constant 0 : i32
    %dma_start3A_337 = arith.constant 0 : i32
    %dma_start3A_338 = tpu.memref_slice %arg3[%dma_start3A_336, %dma_start3A_337] : memref<100001x64xf32, #tpu.memory_space<hbm>> -> memref<100001x64xf32, #tpu.memory_space<hbm>>
    tpu.enqueue_indirect_dma source(%dma_start3A_338 : memref<100001x64xf32, #tpu.memory_space<hbm>>) target(%dma_start3A_332 : memref<512x64xf32, #tpu.memory_space<vmem>>) offsets(%dma_start3A_335 : memref<512xi32, #tpu.memory_space<vmem>>) semaphore(%arg7 : memref<!tpu.dma_semaphore, #tpu.memory_space<semaphore_mem>>) {add = true}
    %dma_start3A_339 = arith.constant 26 : i32
    %dma_start3A_340 = arith.constant 0 : i32
    %dma_start3A_341 = arith.constant 0 : i32
    %dma_start3A_342 = tpu.memref_slice %arg6[%dma_start3A_340, %dma_start3A_341] : memref<512x64xf32, #tpu.memory_space<vmem>> -> memref<512x64xf32, #tpu.memory_space<vmem>>
    %dma_start3A_343 = arith.constant 0 : i32
    %dma_start3A_344 = tpu.memref_slice %arg5[%dma_start3A_339, %dma_start3A_343] : memref<50x512xi32, #tpu.memory_space<vmem>> -> memref<1x512xi32, #tpu.memory_space<vmem>>
    %dma_start3A_345 = tpu.memref_squeeze %dma_start3A_344 : memref<1x512xi32, #tpu.memory_space<vmem>> -> memref<512xi32, #tpu.memory_space<vmem>>
    %dma_start3A_346 = arith.constant 0 : i32
    %dma_start3A_347 = arith.constant 0 : i32
    %dma_start3A_348 = tpu.memref_slice %arg3[%dma_start3A_346, %dma_start3A_347] : memref<100001x64xf32, #tpu.memory_space<hbm>> -> memref<100001x64xf32, #tpu.memory_space<hbm>>
    tpu.enqueue_indirect_dma source(%dma_start3A_348 : memref<100001x64xf32, #tpu.memory_space<hbm>>) target(%dma_start3A_342 : memref<512x64xf32, #tpu.memory_space<vmem>>) offsets(%dma_start3A_345 : memref<512xi32, #tpu.memory_space<vmem>>) semaphore(%arg7 : memref<!tpu.dma_semaphore, #tpu.memory_space<semaphore_mem>>) {add = true}
    %dma_start3A_349 = arith.constant 27 : i32
    %dma_start3A_350 = arith.constant 0 : i32
    %dma_start3A_351 = arith.constant 0 : i32
    %dma_start3A_352 = tpu.memref_slice %arg6[%dma_start3A_350, %dma_start3A_351] : memref<512x64xf32, #tpu.memory_space<vmem>> -> memref<512x64xf32, #tpu.memory_space<vmem>>
    %dma_start3A_353 = arith.constant 0 : i32
    %dma_start3A_354 = tpu.memref_slice %arg5[%dma_start3A_349, %dma_start3A_353] : memref<50x512xi32, #tpu.memory_space<vmem>> -> memref<1x512xi32, #tpu.memory_space<vmem>>
    %dma_start3A_355 = tpu.memref_squeeze %dma_start3A_354 : memref<1x512xi32, #tpu.memory_space<vmem>> -> memref<512xi32, #tpu.memory_space<vmem>>
    %dma_start3A_356 = arith.constant 0 : i32
    %dma_start3A_357 = arith.constant 0 : i32
    %dma_start3A_358 = tpu.memref_slice %arg3[%dma_start3A_356, %dma_start3A_357] : memref<100001x64xf32, #tpu.memory_space<hbm>> -> memref<100001x64xf32, #tpu.memory_space<hbm>>
    tpu.enqueue_indirect_dma source(%dma_start3A_358 : memref<100001x64xf32, #tpu.memory_space<hbm>>) target(%dma_start3A_352 : memref<512x64xf32, #tpu.memory_space<vmem>>) offsets(%dma_start3A_355 : memref<512xi32, #tpu.memory_space<vmem>>) semaphore(%arg7 : memref<!tpu.dma_semaphore, #tpu.memory_space<semaphore_mem>>) {add = true}
    %dma_start3A_359 = arith.constant 28 : i32
    %dma_start3A_360 = arith.constant 0 : i32
    %dma_start3A_361 = arith.constant 0 : i32
    %dma_start3A_362 = tpu.memref_slice %arg6[%dma_start3A_360, %dma_start3A_361] : memref<512x64xf32, #tpu.memory_space<vmem>> -> memref<512x64xf32, #tpu.memory_space<vmem>>
    %dma_start3A_363 = arith.constant 0 : i32
    %dma_start3A_364 = tpu.memref_slice %arg5[%dma_start3A_359, %dma_start3A_363] : memref<50x512xi32, #tpu.memory_space<vmem>> -> memref<1x512xi32, #tpu.memory_space<vmem>>
    %dma_start3A_365 = tpu.memref_squeeze %dma_start3A_364 : memref<1x512xi32, #tpu.memory_space<vmem>> -> memref<512xi32, #tpu.memory_space<vmem>>
    %dma_start3A_366 = arith.constant 0 : i32
    %dma_start3A_367 = arith.constant 0 : i32
    %dma_start3A_368 = tpu.memref_slice %arg3[%dma_start3A_366, %dma_start3A_367] : memref<100001x64xf32, #tpu.memory_space<hbm>> -> memref<100001x64xf32, #tpu.memory_space<hbm>>
    tpu.enqueue_indirect_dma source(%dma_start3A_368 : memref<100001x64xf32, #tpu.memory_space<hbm>>) target(%dma_start3A_362 : memref<512x64xf32, #tpu.memory_space<vmem>>) offsets(%dma_start3A_365 : memref<512xi32, #tpu.memory_space<vmem>>) semaphore(%arg7 : memref<!tpu.dma_semaphore, #tpu.memory_space<semaphore_mem>>) {add = true}
    %dma_wait3A_369 = arith.constant 8 : i32
    %dma_wait3A_370 = arith.constant 0 : i32
    %dma_wait3A_371 = arith.constant 0 : i32
    %dma_wait3A_372 = tpu.memref_slice %arg6[%dma_wait3A_370, %dma_wait3A_371] : memref<512x64xf32, #tpu.memory_space<vmem>> -> memref<512x64xf32, #tpu.memory_space<vmem>>
    %dma_wait3A_373 = arith.constant 0 : i32
    %dma_wait3A_374 = tpu.memref_slice %arg5[%dma_wait3A_369, %dma_wait3A_373] : memref<50x512xi32, #tpu.memory_space<vmem>> -> memref<1x512xi32, #tpu.memory_space<vmem>>
    %dma_wait3A_375 = tpu.memref_squeeze %dma_wait3A_374 : memref<1x512xi32, #tpu.memory_space<vmem>> -> memref<512xi32, #tpu.memory_space<vmem>>
    %dma_wait3A_376 = arith.constant 0 : i32
    %dma_wait3A_377 = arith.constant 0 : i32
    %dma_wait3A_378 = tpu.memref_slice %arg3[%dma_wait3A_376, %dma_wait3A_377] : memref<100001x64xf32, #tpu.memory_space<hbm>> -> memref<100001x64xf32, #tpu.memory_space<hbm>>
    tpu.wait_indirect_dma semaphore(%arg8 : memref<!tpu.dma_semaphore, #tpu.memory_space<semaphore_mem>>) src(%dma_wait3A_378 : memref<100001x64xf32, #tpu.memory_space<hbm>>) dst(%dma_wait3A_372 : memref<512x64xf32, #tpu.memory_space<vmem>>)
    %dma_wait3A_379 = arith.constant 9 : i32
    %dma_wait3A_380 = arith.constant 0 : i32
    %dma_wait3A_381 = arith.constant 0 : i32
    %dma_wait3A_382 = tpu.memref_slice %arg6[%dma_wait3A_380, %dma_wait3A_381] : memref<512x64xf32, #tpu.memory_space<vmem>> -> memref<512x64xf32, #tpu.memory_space<vmem>>
    %dma_wait3A_383 = arith.constant 0 : i32
    %dma_wait3A_384 = tpu.memref_slice %arg5[%dma_wait3A_379, %dma_wait3A_383] : memref<50x512xi32, #tpu.memory_space<vmem>> -> memref<1x512xi32, #tpu.memory_space<vmem>>
    %dma_wait3A_385 = tpu.memref_squeeze %dma_wait3A_384 : memref<1x512xi32, #tpu.memory_space<vmem>> -> memref<512xi32, #tpu.memory_space<vmem>>
    %dma_wait3A_386 = arith.constant 0 : i32
    %dma_wait3A_387 = arith.constant 0 : i32
    %dma_wait3A_388 = tpu.memref_slice %arg3[%dma_wait3A_386, %dma_wait3A_387] : memref<100001x64xf32, #tpu.memory_space<hbm>> -> memref<100001x64xf32, #tpu.memory_space<hbm>>
    tpu.wait_indirect_dma semaphore(%arg8 : memref<!tpu.dma_semaphore, #tpu.memory_space<semaphore_mem>>) src(%dma_wait3A_388 : memref<100001x64xf32, #tpu.memory_space<hbm>>) dst(%dma_wait3A_382 : memref<512x64xf32, #tpu.memory_space<vmem>>)
    %dma_wait3A_389 = arith.constant 10 : i32
    %dma_wait3A_390 = arith.constant 0 : i32
    %dma_wait3A_391 = arith.constant 0 : i32
    %dma_wait3A_392 = tpu.memref_slice %arg6[%dma_wait3A_390, %dma_wait3A_391] : memref<512x64xf32, #tpu.memory_space<vmem>> -> memref<512x64xf32, #tpu.memory_space<vmem>>
    %dma_wait3A_393 = arith.constant 0 : i32
    %dma_wait3A_394 = tpu.memref_slice %arg5[%dma_wait3A_389, %dma_wait3A_393] : memref<50x512xi32, #tpu.memory_space<vmem>> -> memref<1x512xi32, #tpu.memory_space<vmem>>
    %dma_wait3A_395 = tpu.memref_squeeze %dma_wait3A_394 : memref<1x512xi32, #tpu.memory_space<vmem>> -> memref<512xi32, #tpu.memory_space<vmem>>
    %dma_wait3A_396 = arith.constant 0 : i32
    %dma_wait3A_397 = arith.constant 0 : i32
    %dma_wait3A_398 = tpu.memref_slice %arg3[%dma_wait3A_396, %dma_wait3A_397] : memref<100001x64xf32, #tpu.memory_space<hbm>> -> memref<100001x64xf32, #tpu.memory_space<hbm>>
    tpu.wait_indirect_dma semaphore(%arg8 : memref<!tpu.dma_semaphore, #tpu.memory_space<semaphore_mem>>) src(%dma_wait3A_398 : memref<100001x64xf32, #tpu.memory_space<hbm>>) dst(%dma_wait3A_392 : memref<512x64xf32, #tpu.memory_space<vmem>>)
    %dma_wait3A_399 = arith.constant 11 : i32
    %dma_wait3A_400 = arith.constant 0 : i32
    %dma_wait3A_401 = arith.constant 0 : i32
    %dma_wait3A_402 = tpu.memref_slice %arg6[%dma_wait3A_400, %dma_wait3A_401] : memref<512x64xf32, #tpu.memory_space<vmem>> -> memref<512x64xf32, #tpu.memory_space<vmem>>
    %dma_wait3A_403 = arith.constant 0 : i32
    %dma_wait3A_404 = tpu.memref_slice %arg5[%dma_wait3A_399, %dma_wait3A_403] : memref<50x512xi32, #tpu.memory_space<vmem>> -> memref<1x512xi32, #tpu.memory_space<vmem>>
    %dma_wait3A_405 = tpu.memref_squeeze %dma_wait3A_404 : memref<1x512xi32, #tpu.memory_space<vmem>> -> memref<512xi32, #tpu.memory_space<vmem>>
    %dma_wait3A_406 = arith.constant 0 : i32
    %dma_wait3A_407 = arith.constant 0 : i32
    %dma_wait3A_408 = tpu.memref_slice %arg3[%dma_wait3A_406, %dma_wait3A_407] : memref<100001x64xf32, #tpu.memory_space<hbm>> -> memref<100001x64xf32, #tpu.memory_space<hbm>>
    tpu.wait_indirect_dma semaphore(%arg8 : memref<!tpu.dma_semaphore, #tpu.memory_space<semaphore_mem>>) src(%dma_wait3A_408 : memref<100001x64xf32, #tpu.memory_space<hbm>>) dst(%dma_wait3A_402 : memref<512x64xf32, #tpu.memory_space<vmem>>)
    %dma_wait3A_409 = arith.constant 12 : i32
    %dma_wait3A_410 = arith.constant 0 : i32
    %dma_wait3A_411 = arith.constant 0 : i32
    %dma_wait3A_412 = tpu.memref_slice %arg6[%dma_wait3A_410, %dma_wait3A_411] : memref<512x64xf32, #tpu.memory_space<vmem>> -> memref<512x64xf32, #tpu.memory_space<vmem>>
    %dma_wait3A_413 = arith.constant 0 : i32
    %dma_wait3A_414 = tpu.memref_slice %arg5[%dma_wait3A_409, %dma_wait3A_413] : memref<50x512xi32, #tpu.memory_space<vmem>> -> memref<1x512xi32, #tpu.memory_space<vmem>>
    %dma_wait3A_415 = tpu.memref_squeeze %dma_wait3A_414 : memref<1x512xi32, #tpu.memory_space<vmem>> -> memref<512xi32, #tpu.memory_space<vmem>>
    %dma_wait3A_416 = arith.constant 0 : i32
    %dma_wait3A_417 = arith.constant 0 : i32
    %dma_wait3A_418 = tpu.memref_slice %arg3[%dma_wait3A_416, %dma_wait3A_417] : memref<100001x64xf32, #tpu.memory_space<hbm>> -> memref<100001x64xf32, #tpu.memory_space<hbm>>
    tpu.wait_indirect_dma semaphore(%arg8 : memref<!tpu.dma_semaphore, #tpu.memory_space<semaphore_mem>>) src(%dma_wait3A_418 : memref<100001x64xf32, #tpu.memory_space<hbm>>) dst(%dma_wait3A_412 : memref<512x64xf32, #tpu.memory_space<vmem>>)
    %dma_wait3A_419 = arith.constant 13 : i32
    %dma_wait3A_420 = arith.constant 0 : i32
    %dma_wait3A_421 = arith.constant 0 : i32
    %dma_wait3A_422 = tpu.memref_slice %arg6[%dma_wait3A_420, %dma_wait3A_421] : memref<512x64xf32, #tpu.memory_space<vmem>> -> memref<512x64xf32, #tpu.memory_space<vmem>>
    %dma_wait3A_423 = arith.constant 0 : i32
    %dma_wait3A_424 = tpu.memref_slice %arg5[%dma_wait3A_419, %dma_wait3A_423] : memref<50x512xi32, #tpu.memory_space<vmem>> -> memref<1x512xi32, #tpu.memory_space<vmem>>
    %dma_wait3A_425 = tpu.memref_squeeze %dma_wait3A_424 : memref<1x512xi32, #tpu.memory_space<vmem>> -> memref<512xi32, #tpu.memory_space<vmem>>
    %dma_wait3A_426 = arith.constant 0 : i32
    %dma_wait3A_427 = arith.constant 0 : i32
    %dma_wait3A_428 = tpu.memref_slice %arg3[%dma_wait3A_426, %dma_wait3A_427] : memref<100001x64xf32, #tpu.memory_space<hbm>> -> memref<100001x64xf32, #tpu.memory_space<hbm>>
    tpu.wait_indirect_dma semaphore(%arg8 : memref<!tpu.dma_semaphore, #tpu.memory_space<semaphore_mem>>) src(%dma_wait3A_428 : memref<100001x64xf32, #tpu.memory_space<hbm>>) dst(%dma_wait3A_422 : memref<512x64xf32, #tpu.memory_space<vmem>>)
    %dma_wait3A_429 = arith.constant 14 : i32
    %dma_wait3A_430 = arith.constant 0 : i32
    %dma_wait3A_431 = arith.constant 0 : i32
    %dma_wait3A_432 = tpu.memref_slice %arg6[%dma_wait3A_430, %dma_wait3A_431] : memref<512x64xf32, #tpu.memory_space<vmem>> -> memref<512x64xf32, #tpu.memory_space<vmem>>
    %dma_wait3A_433 = arith.constant 0 : i32
    %dma_wait3A_434 = tpu.memref_slice %arg5[%dma_wait3A_429, %dma_wait3A_433] : memref<50x512xi32, #tpu.memory_space<vmem>> -> memref<1x512xi32, #tpu.memory_space<vmem>>
    %dma_wait3A_435 = tpu.memref_squeeze %dma_wait3A_434 : memref<1x512xi32, #tpu.memory_space<vmem>> -> memref<512xi32, #tpu.memory_space<vmem>>
    %dma_wait3A_436 = arith.constant 0 : i32
    %dma_wait3A_437 = arith.constant 0 : i32
    %dma_wait3A_438 = tpu.memref_slice %arg3[%dma_wait3A_436, %dma_wait3A_437] : memref<100001x64xf32, #tpu.memory_space<hbm>> -> memref<100001x64xf32, #tpu.memory_space<hbm>>
    tpu.wait_indirect_dma semaphore(%arg8 : memref<!tpu.dma_semaphore, #tpu.memory_space<semaphore_mem>>) src(%dma_wait3A_438 : memref<100001x64xf32, #tpu.memory_space<hbm>>) dst(%dma_wait3A_432 : memref<512x64xf32, #tpu.memory_space<vmem>>)
    %dma_start3A_439 = arith.constant 29 : i32
    %dma_start3A_440 = arith.constant 0 : i32
    %dma_start3A_441 = arith.constant 0 : i32
    %dma_start3A_442 = tpu.memref_slice %arg6[%dma_start3A_440, %dma_start3A_441] : memref<512x64xf32, #tpu.memory_space<vmem>> -> memref<512x64xf32, #tpu.memory_space<vmem>>
    %dma_start3A_443 = arith.constant 0 : i32
    %dma_start3A_444 = tpu.memref_slice %arg5[%dma_start3A_439, %dma_start3A_443] : memref<50x512xi32, #tpu.memory_space<vmem>> -> memref<1x512xi32, #tpu.memory_space<vmem>>
    %dma_start3A_445 = tpu.memref_squeeze %dma_start3A_444 : memref<1x512xi32, #tpu.memory_space<vmem>> -> memref<512xi32, #tpu.memory_space<vmem>>
    %dma_start3A_446 = arith.constant 0 : i32
    %dma_start3A_447 = arith.constant 0 : i32
    %dma_start3A_448 = tpu.memref_slice %arg3[%dma_start3A_446, %dma_start3A_447] : memref<100001x64xf32, #tpu.memory_space<hbm>> -> memref<100001x64xf32, #tpu.memory_space<hbm>>
    tpu.enqueue_indirect_dma source(%dma_start3A_448 : memref<100001x64xf32, #tpu.memory_space<hbm>>) target(%dma_start3A_442 : memref<512x64xf32, #tpu.memory_space<vmem>>) offsets(%dma_start3A_445 : memref<512xi32, #tpu.memory_space<vmem>>) semaphore(%arg8 : memref<!tpu.dma_semaphore, #tpu.memory_space<semaphore_mem>>) {add = true}
    %dma_start3A_449 = arith.constant 30 : i32
    %dma_start3A_450 = arith.constant 0 : i32
    %dma_start3A_451 = arith.constant 0 : i32
    %dma_start3A_452 = tpu.memref_slice %arg6[%dma_start3A_450, %dma_start3A_451] : memref<512x64xf32, #tpu.memory_space<vmem>> -> memref<512x64xf32, #tpu.memory_space<vmem>>
    %dma_start3A_453 = arith.constant 0 : i32
    %dma_start3A_454 = tpu.memref_slice %arg5[%dma_start3A_449, %dma_start3A_453] : memref<50x512xi32, #tpu.memory_space<vmem>> -> memref<1x512xi32, #tpu.memory_space<vmem>>
    %dma_start3A_455 = tpu.memref_squeeze %dma_start3A_454 : memref<1x512xi32, #tpu.memory_space<vmem>> -> memref<512xi32, #tpu.memory_space<vmem>>
    %dma_start3A_456 = arith.constant 0 : i32
    %dma_start3A_457 = arith.constant 0 : i32
    %dma_start3A_458 = tpu.memref_slice %arg3[%dma_start3A_456, %dma_start3A_457] : memref<100001x64xf32, #tpu.memory_space<hbm>> -> memref<100001x64xf32, #tpu.memory_space<hbm>>
    tpu.enqueue_indirect_dma source(%dma_start3A_458 : memref<100001x64xf32, #tpu.memory_space<hbm>>) target(%dma_start3A_452 : memref<512x64xf32, #tpu.memory_space<vmem>>) offsets(%dma_start3A_455 : memref<512xi32, #tpu.memory_space<vmem>>) semaphore(%arg8 : memref<!tpu.dma_semaphore, #tpu.memory_space<semaphore_mem>>) {add = true}
    %dma_start3A_459 = arith.constant 31 : i32
    %dma_start3A_460 = arith.constant 0 : i32
    %dma_start3A_461 = arith.constant 0 : i32
    %dma_start3A_462 = tpu.memref_slice %arg6[%dma_start3A_460, %dma_start3A_461] : memref<512x64xf32, #tpu.memory_space<vmem>> -> memref<512x64xf32, #tpu.memory_space<vmem>>
    %dma_start3A_463 = arith.constant 0 : i32
    %dma_start3A_464 = tpu.memref_slice %arg5[%dma_start3A_459, %dma_start3A_463] : memref<50x512xi32, #tpu.memory_space<vmem>> -> memref<1x512xi32, #tpu.memory_space<vmem>>
    %dma_start3A_465 = tpu.memref_squeeze %dma_start3A_464 : memref<1x512xi32, #tpu.memory_space<vmem>> -> memref<512xi32, #tpu.memory_space<vmem>>
    %dma_start3A_466 = arith.constant 0 : i32
    %dma_start3A_467 = arith.constant 0 : i32
    %dma_start3A_468 = tpu.memref_slice %arg3[%dma_start3A_466, %dma_start3A_467] : memref<100001x64xf32, #tpu.memory_space<hbm>> -> memref<100001x64xf32, #tpu.memory_space<hbm>>
    tpu.enqueue_indirect_dma source(%dma_start3A_468 : memref<100001x64xf32, #tpu.memory_space<hbm>>) target(%dma_start3A_462 : memref<512x64xf32, #tpu.memory_space<vmem>>) offsets(%dma_start3A_465 : memref<512xi32, #tpu.memory_space<vmem>>) semaphore(%arg8 : memref<!tpu.dma_semaphore, #tpu.memory_space<semaphore_mem>>) {add = true}
    %dma_start3A_469 = arith.constant 32 : i32
    %dma_start3A_470 = arith.constant 0 : i32
    %dma_start3A_471 = arith.constant 0 : i32
    %dma_start3A_472 = tpu.memref_slice %arg6[%dma_start3A_470, %dma_start3A_471] : memref<512x64xf32, #tpu.memory_space<vmem>> -> memref<512x64xf32, #tpu.memory_space<vmem>>
    %dma_start3A_473 = arith.constant 0 : i32
    %dma_start3A_474 = tpu.memref_slice %arg5[%dma_start3A_469, %dma_start3A_473] : memref<50x512xi32, #tpu.memory_space<vmem>> -> memref<1x512xi32, #tpu.memory_space<vmem>>
    %dma_start3A_475 = tpu.memref_squeeze %dma_start3A_474 : memref<1x512xi32, #tpu.memory_space<vmem>> -> memref<512xi32, #tpu.memory_space<vmem>>
    %dma_start3A_476 = arith.constant 0 : i32
    %dma_start3A_477 = arith.constant 0 : i32
    %dma_start3A_478 = tpu.memref_slice %arg3[%dma_start3A_476, %dma_start3A_477] : memref<100001x64xf32, #tpu.memory_space<hbm>> -> memref<100001x64xf32, #tpu.memory_space<hbm>>
    tpu.enqueue_indirect_dma source(%dma_start3A_478 : memref<100001x64xf32, #tpu.memory_space<hbm>>) target(%dma_start3A_472 : memref<512x64xf32, #tpu.memory_space<vmem>>) offsets(%dma_start3A_475 : memref<512xi32, #tpu.memory_space<vmem>>) semaphore(%arg8 : memref<!tpu.dma_semaphore, #tpu.memory_space<semaphore_mem>>) {add = true}
    %dma_start3A_479 = arith.constant 33 : i32
    %dma_start3A_480 = arith.constant 0 : i32
    %dma_start3A_481 = arith.constant 0 : i32
    %dma_start3A_482 = tpu.memref_slice %arg6[%dma_start3A_480, %dma_start3A_481] : memref<512x64xf32, #tpu.memory_space<vmem>> -> memref<512x64xf32, #tpu.memory_space<vmem>>
    %dma_start3A_483 = arith.constant 0 : i32
    %dma_start3A_484 = tpu.memref_slice %arg5[%dma_start3A_479, %dma_start3A_483] : memref<50x512xi32, #tpu.memory_space<vmem>> -> memref<1x512xi32, #tpu.memory_space<vmem>>
    %dma_start3A_485 = tpu.memref_squeeze %dma_start3A_484 : memref<1x512xi32, #tpu.memory_space<vmem>> -> memref<512xi32, #tpu.memory_space<vmem>>
    %dma_start3A_486 = arith.constant 0 : i32
    %dma_start3A_487 = arith.constant 0 : i32
    %dma_start3A_488 = tpu.memref_slice %arg3[%dma_start3A_486, %dma_start3A_487] : memref<100001x64xf32, #tpu.memory_space<hbm>> -> memref<100001x64xf32, #tpu.memory_space<hbm>>
    tpu.enqueue_indirect_dma source(%dma_start3A_488 : memref<100001x64xf32, #tpu.memory_space<hbm>>) target(%dma_start3A_482 : memref<512x64xf32, #tpu.memory_space<vmem>>) offsets(%dma_start3A_485 : memref<512xi32, #tpu.memory_space<vmem>>) semaphore(%arg8 : memref<!tpu.dma_semaphore, #tpu.memory_space<semaphore_mem>>) {add = true}
    %dma_start3A_489 = arith.constant 34 : i32
    %dma_start3A_490 = arith.constant 0 : i32
    %dma_start3A_491 = arith.constant 0 : i32
    %dma_start3A_492 = tpu.memref_slice %arg6[%dma_start3A_490, %dma_start3A_491] : memref<512x64xf32, #tpu.memory_space<vmem>> -> memref<512x64xf32, #tpu.memory_space<vmem>>
    %dma_start3A_493 = arith.constant 0 : i32
    %dma_start3A_494 = tpu.memref_slice %arg5[%dma_start3A_489, %dma_start3A_493] : memref<50x512xi32, #tpu.memory_space<vmem>> -> memref<1x512xi32, #tpu.memory_space<vmem>>
    %dma_start3A_495 = tpu.memref_squeeze %dma_start3A_494 : memref<1x512xi32, #tpu.memory_space<vmem>> -> memref<512xi32, #tpu.memory_space<vmem>>
    %dma_start3A_496 = arith.constant 0 : i32
    %dma_start3A_497 = arith.constant 0 : i32
    %dma_start3A_498 = tpu.memref_slice %arg3[%dma_start3A_496, %dma_start3A_497] : memref<100001x64xf32, #tpu.memory_space<hbm>> -> memref<100001x64xf32, #tpu.memory_space<hbm>>
    tpu.enqueue_indirect_dma source(%dma_start3A_498 : memref<100001x64xf32, #tpu.memory_space<hbm>>) target(%dma_start3A_492 : memref<512x64xf32, #tpu.memory_space<vmem>>) offsets(%dma_start3A_495 : memref<512xi32, #tpu.memory_space<vmem>>) semaphore(%arg8 : memref<!tpu.dma_semaphore, #tpu.memory_space<semaphore_mem>>) {add = true}
    %dma_start3A_499 = arith.constant 35 : i32
    %dma_start3A_500 = arith.constant 0 : i32
    %dma_start3A_501 = arith.constant 0 : i32
    %dma_start3A_502 = tpu.memref_slice %arg6[%dma_start3A_500, %dma_start3A_501] : memref<512x64xf32, #tpu.memory_space<vmem>> -> memref<512x64xf32, #tpu.memory_space<vmem>>
    %dma_start3A_503 = arith.constant 0 : i32
    %dma_start3A_504 = tpu.memref_slice %arg5[%dma_start3A_499, %dma_start3A_503] : memref<50x512xi32, #tpu.memory_space<vmem>> -> memref<1x512xi32, #tpu.memory_space<vmem>>
    %dma_start3A_505 = tpu.memref_squeeze %dma_start3A_504 : memref<1x512xi32, #tpu.memory_space<vmem>> -> memref<512xi32, #tpu.memory_space<vmem>>
    %dma_start3A_506 = arith.constant 0 : i32
    %dma_start3A_507 = arith.constant 0 : i32
    %dma_start3A_508 = tpu.memref_slice %arg3[%dma_start3A_506, %dma_start3A_507] : memref<100001x64xf32, #tpu.memory_space<hbm>> -> memref<100001x64xf32, #tpu.memory_space<hbm>>
    tpu.enqueue_indirect_dma source(%dma_start3A_508 : memref<100001x64xf32, #tpu.memory_space<hbm>>) target(%dma_start3A_502 : memref<512x64xf32, #tpu.memory_space<vmem>>) offsets(%dma_start3A_505 : memref<512xi32, #tpu.memory_space<vmem>>) semaphore(%arg8 : memref<!tpu.dma_semaphore, #tpu.memory_space<semaphore_mem>>) {add = true}
    %dma_wait3A_509 = arith.constant 15 : i32
    %dma_wait3A_510 = arith.constant 0 : i32
    %dma_wait3A_511 = arith.constant 0 : i32
    %dma_wait3A_512 = tpu.memref_slice %arg6[%dma_wait3A_510, %dma_wait3A_511] : memref<512x64xf32, #tpu.memory_space<vmem>> -> memref<512x64xf32, #tpu.memory_space<vmem>>
    %dma_wait3A_513 = arith.constant 0 : i32
    %dma_wait3A_514 = tpu.memref_slice %arg5[%dma_wait3A_509, %dma_wait3A_513] : memref<50x512xi32, #tpu.memory_space<vmem>> -> memref<1x512xi32, #tpu.memory_space<vmem>>
    %dma_wait3A_515 = tpu.memref_squeeze %dma_wait3A_514 : memref<1x512xi32, #tpu.memory_space<vmem>> -> memref<512xi32, #tpu.memory_space<vmem>>
    %dma_wait3A_516 = arith.constant 0 : i32
    %dma_wait3A_517 = arith.constant 0 : i32
    %dma_wait3A_518 = tpu.memref_slice %arg3[%dma_wait3A_516, %dma_wait3A_517] : memref<100001x64xf32, #tpu.memory_space<hbm>> -> memref<100001x64xf32, #tpu.memory_space<hbm>>
    tpu.wait_indirect_dma semaphore(%arg9 : memref<!tpu.dma_semaphore, #tpu.memory_space<semaphore_mem>>) src(%dma_wait3A_518 : memref<100001x64xf32, #tpu.memory_space<hbm>>) dst(%dma_wait3A_512 : memref<512x64xf32, #tpu.memory_space<vmem>>)
    %dma_wait3A_519 = arith.constant 16 : i32
    %dma_wait3A_520 = arith.constant 0 : i32
    %dma_wait3A_521 = arith.constant 0 : i32
    %dma_wait3A_522 = tpu.memref_slice %arg6[%dma_wait3A_520, %dma_wait3A_521] : memref<512x64xf32, #tpu.memory_space<vmem>> -> memref<512x64xf32, #tpu.memory_space<vmem>>
    %dma_wait3A_523 = arith.constant 0 : i32
    %dma_wait3A_524 = tpu.memref_slice %arg5[%dma_wait3A_519, %dma_wait3A_523] : memref<50x512xi32, #tpu.memory_space<vmem>> -> memref<1x512xi32, #tpu.memory_space<vmem>>
    %dma_wait3A_525 = tpu.memref_squeeze %dma_wait3A_524 : memref<1x512xi32, #tpu.memory_space<vmem>> -> memref<512xi32, #tpu.memory_space<vmem>>
    %dma_wait3A_526 = arith.constant 0 : i32
    %dma_wait3A_527 = arith.constant 0 : i32
    %dma_wait3A_528 = tpu.memref_slice %arg3[%dma_wait3A_526, %dma_wait3A_527] : memref<100001x64xf32, #tpu.memory_space<hbm>> -> memref<100001x64xf32, #tpu.memory_space<hbm>>
    tpu.wait_indirect_dma semaphore(%arg9 : memref<!tpu.dma_semaphore, #tpu.memory_space<semaphore_mem>>) src(%dma_wait3A_528 : memref<100001x64xf32, #tpu.memory_space<hbm>>) dst(%dma_wait3A_522 : memref<512x64xf32, #tpu.memory_space<vmem>>)
    %dma_wait3A_529 = arith.constant 17 : i32
    %dma_wait3A_530 = arith.constant 0 : i32
    %dma_wait3A_531 = arith.constant 0 : i32
    %dma_wait3A_532 = tpu.memref_slice %arg6[%dma_wait3A_530, %dma_wait3A_531] : memref<512x64xf32, #tpu.memory_space<vmem>> -> memref<512x64xf32, #tpu.memory_space<vmem>>
    %dma_wait3A_533 = arith.constant 0 : i32
    %dma_wait3A_534 = tpu.memref_slice %arg5[%dma_wait3A_529, %dma_wait3A_533] : memref<50x512xi32, #tpu.memory_space<vmem>> -> memref<1x512xi32, #tpu.memory_space<vmem>>
    %dma_wait3A_535 = tpu.memref_squeeze %dma_wait3A_534 : memref<1x512xi32, #tpu.memory_space<vmem>> -> memref<512xi32, #tpu.memory_space<vmem>>
    %dma_wait3A_536 = arith.constant 0 : i32
    %dma_wait3A_537 = arith.constant 0 : i32
    %dma_wait3A_538 = tpu.memref_slice %arg3[%dma_wait3A_536, %dma_wait3A_537] : memref<100001x64xf32, #tpu.memory_space<hbm>> -> memref<100001x64xf32, #tpu.memory_space<hbm>>
    tpu.wait_indirect_dma semaphore(%arg9 : memref<!tpu.dma_semaphore, #tpu.memory_space<semaphore_mem>>) src(%dma_wait3A_538 : memref<100001x64xf32, #tpu.memory_space<hbm>>) dst(%dma_wait3A_532 : memref<512x64xf32, #tpu.memory_space<vmem>>)
    %dma_wait3A_539 = arith.constant 18 : i32
    %dma_wait3A_540 = arith.constant 0 : i32
    %dma_wait3A_541 = arith.constant 0 : i32
    %dma_wait3A_542 = tpu.memref_slice %arg6[%dma_wait3A_540, %dma_wait3A_541] : memref<512x64xf32, #tpu.memory_space<vmem>> -> memref<512x64xf32, #tpu.memory_space<vmem>>
    %dma_wait3A_543 = arith.constant 0 : i32
    %dma_wait3A_544 = tpu.memref_slice %arg5[%dma_wait3A_539, %dma_wait3A_543] : memref<50x512xi32, #tpu.memory_space<vmem>> -> memref<1x512xi32, #tpu.memory_space<vmem>>
    %dma_wait3A_545 = tpu.memref_squeeze %dma_wait3A_544 : memref<1x512xi32, #tpu.memory_space<vmem>> -> memref<512xi32, #tpu.memory_space<vmem>>
    %dma_wait3A_546 = arith.constant 0 : i32
    %dma_wait3A_547 = arith.constant 0 : i32
    %dma_wait3A_548 = tpu.memref_slice %arg3[%dma_wait3A_546, %dma_wait3A_547] : memref<100001x64xf32, #tpu.memory_space<hbm>> -> memref<100001x64xf32, #tpu.memory_space<hbm>>
    tpu.wait_indirect_dma semaphore(%arg9 : memref<!tpu.dma_semaphore, #tpu.memory_space<semaphore_mem>>) src(%dma_wait3A_548 : memref<100001x64xf32, #tpu.memory_space<hbm>>) dst(%dma_wait3A_542 : memref<512x64xf32, #tpu.memory_space<vmem>>)
    %dma_wait3A_549 = arith.constant 19 : i32
    %dma_wait3A_550 = arith.constant 0 : i32
    %dma_wait3A_551 = arith.constant 0 : i32
    %dma_wait3A_552 = tpu.memref_slice %arg6[%dma_wait3A_550, %dma_wait3A_551] : memref<512x64xf32, #tpu.memory_space<vmem>> -> memref<512x64xf32, #tpu.memory_space<vmem>>
    %dma_wait3A_553 = arith.constant 0 : i32
    %dma_wait3A_554 = tpu.memref_slice %arg5[%dma_wait3A_549, %dma_wait3A_553] : memref<50x512xi32, #tpu.memory_space<vmem>> -> memref<1x512xi32, #tpu.memory_space<vmem>>
    %dma_wait3A_555 = tpu.memref_squeeze %dma_wait3A_554 : memref<1x512xi32, #tpu.memory_space<vmem>> -> memref<512xi32, #tpu.memory_space<vmem>>
    %dma_wait3A_556 = arith.constant 0 : i32
    %dma_wait3A_557 = arith.constant 0 : i32
    %dma_wait3A_558 = tpu.memref_slice %arg3[%dma_wait3A_556, %dma_wait3A_557] : memref<100001x64xf32, #tpu.memory_space<hbm>> -> memref<100001x64xf32, #tpu.memory_space<hbm>>
    tpu.wait_indirect_dma semaphore(%arg9 : memref<!tpu.dma_semaphore, #tpu.memory_space<semaphore_mem>>) src(%dma_wait3A_558 : memref<100001x64xf32, #tpu.memory_space<hbm>>) dst(%dma_wait3A_552 : memref<512x64xf32, #tpu.memory_space<vmem>>)
    %dma_wait3A_559 = arith.constant 20 : i32
    %dma_wait3A_560 = arith.constant 0 : i32
    %dma_wait3A_561 = arith.constant 0 : i32
    %dma_wait3A_562 = tpu.memref_slice %arg6[%dma_wait3A_560, %dma_wait3A_561] : memref<512x64xf32, #tpu.memory_space<vmem>> -> memref<512x64xf32, #tpu.memory_space<vmem>>
    %dma_wait3A_563 = arith.constant 0 : i32
    %dma_wait3A_564 = tpu.memref_slice %arg5[%dma_wait3A_559, %dma_wait3A_563] : memref<50x512xi32, #tpu.memory_space<vmem>> -> memref<1x512xi32, #tpu.memory_space<vmem>>
    %dma_wait3A_565 = tpu.memref_squeeze %dma_wait3A_564 : memref<1x512xi32, #tpu.memory_space<vmem>> -> memref<512xi32, #tpu.memory_space<vmem>>
    %dma_wait3A_566 = arith.constant 0 : i32
    %dma_wait3A_567 = arith.constant 0 : i32
    %dma_wait3A_568 = tpu.memref_slice %arg3[%dma_wait3A_566, %dma_wait3A_567] : memref<100001x64xf32, #tpu.memory_space<hbm>> -> memref<100001x64xf32, #tpu.memory_space<hbm>>
    tpu.wait_indirect_dma semaphore(%arg9 : memref<!tpu.dma_semaphore, #tpu.memory_space<semaphore_mem>>) src(%dma_wait3A_568 : memref<100001x64xf32, #tpu.memory_space<hbm>>) dst(%dma_wait3A_562 : memref<512x64xf32, #tpu.memory_space<vmem>>)
    %dma_wait3A_569 = arith.constant 21 : i32
    %dma_wait3A_570 = arith.constant 0 : i32
    %dma_wait3A_571 = arith.constant 0 : i32
    %dma_wait3A_572 = tpu.memref_slice %arg6[%dma_wait3A_570, %dma_wait3A_571] : memref<512x64xf32, #tpu.memory_space<vmem>> -> memref<512x64xf32, #tpu.memory_space<vmem>>
    %dma_wait3A_573 = arith.constant 0 : i32
    %dma_wait3A_574 = tpu.memref_slice %arg5[%dma_wait3A_569, %dma_wait3A_573] : memref<50x512xi32, #tpu.memory_space<vmem>> -> memref<1x512xi32, #tpu.memory_space<vmem>>
    %dma_wait3A_575 = tpu.memref_squeeze %dma_wait3A_574 : memref<1x512xi32, #tpu.memory_space<vmem>> -> memref<512xi32, #tpu.memory_space<vmem>>
    %dma_wait3A_576 = arith.constant 0 : i32
    %dma_wait3A_577 = arith.constant 0 : i32
    %dma_wait3A_578 = tpu.memref_slice %arg3[%dma_wait3A_576, %dma_wait3A_577] : memref<100001x64xf32, #tpu.memory_space<hbm>> -> memref<100001x64xf32, #tpu.memory_space<hbm>>
    tpu.wait_indirect_dma semaphore(%arg9 : memref<!tpu.dma_semaphore, #tpu.memory_space<semaphore_mem>>) src(%dma_wait3A_578 : memref<100001x64xf32, #tpu.memory_space<hbm>>) dst(%dma_wait3A_572 : memref<512x64xf32, #tpu.memory_space<vmem>>)
    %dma_start3A_579 = arith.constant 36 : i32
    %dma_start3A_580 = arith.constant 0 : i32
    %dma_start3A_581 = arith.constant 0 : i32
    %dma_start3A_582 = tpu.memref_slice %arg6[%dma_start3A_580, %dma_start3A_581] : memref<512x64xf32, #tpu.memory_space<vmem>> -> memref<512x64xf32, #tpu.memory_space<vmem>>
    %dma_start3A_583 = arith.constant 0 : i32
    %dma_start3A_584 = tpu.memref_slice %arg5[%dma_start3A_579, %dma_start3A_583] : memref<50x512xi32, #tpu.memory_space<vmem>> -> memref<1x512xi32, #tpu.memory_space<vmem>>
    %dma_start3A_585 = tpu.memref_squeeze %dma_start3A_584 : memref<1x512xi32, #tpu.memory_space<vmem>> -> memref<512xi32, #tpu.memory_space<vmem>>
    %dma_start3A_586 = arith.constant 0 : i32
    %dma_start3A_587 = arith.constant 0 : i32
    %dma_start3A_588 = tpu.memref_slice %arg3[%dma_start3A_586, %dma_start3A_587] : memref<100001x64xf32, #tpu.memory_space<hbm>> -> memref<100001x64xf32, #tpu.memory_space<hbm>>
    tpu.enqueue_indirect_dma source(%dma_start3A_588 : memref<100001x64xf32, #tpu.memory_space<hbm>>) target(%dma_start3A_582 : memref<512x64xf32, #tpu.memory_space<vmem>>) offsets(%dma_start3A_585 : memref<512xi32, #tpu.memory_space<vmem>>) semaphore(%arg9 : memref<!tpu.dma_semaphore, #tpu.memory_space<semaphore_mem>>) {add = true}
    %dma_start3A_589 = arith.constant 37 : i32
    %dma_start3A_590 = arith.constant 0 : i32
    %dma_start3A_591 = arith.constant 0 : i32
    %dma_start3A_592 = tpu.memref_slice %arg6[%dma_start3A_590, %dma_start3A_591] : memref<512x64xf32, #tpu.memory_space<vmem>> -> memref<512x64xf32, #tpu.memory_space<vmem>>
    %dma_start3A_593 = arith.constant 0 : i32
    %dma_start3A_594 = tpu.memref_slice %arg5[%dma_start3A_589, %dma_start3A_593] : memref<50x512xi32, #tpu.memory_space<vmem>> -> memref<1x512xi32, #tpu.memory_space<vmem>>
    %dma_start3A_595 = tpu.memref_squeeze %dma_start3A_594 : memref<1x512xi32, #tpu.memory_space<vmem>> -> memref<512xi32, #tpu.memory_space<vmem>>
    %dma_start3A_596 = arith.constant 0 : i32
    %dma_start3A_597 = arith.constant 0 : i32
    %dma_start3A_598 = tpu.memref_slice %arg3[%dma_start3A_596, %dma_start3A_597] : memref<100001x64xf32, #tpu.memory_space<hbm>> -> memref<100001x64xf32, #tpu.memory_space<hbm>>
    tpu.enqueue_indirect_dma source(%dma_start3A_598 : memref<100001x64xf32, #tpu.memory_space<hbm>>) target(%dma_start3A_592 : memref<512x64xf32, #tpu.memory_space<vmem>>) offsets(%dma_start3A_595 : memref<512xi32, #tpu.memory_space<vmem>>) semaphore(%arg9 : memref<!tpu.dma_semaphore, #tpu.memory_space<semaphore_mem>>) {add = true}
    %dma_start3A_599 = arith.constant 38 : i32
    %dma_start3A_600 = arith.constant 0 : i32
    %dma_start3A_601 = arith.constant 0 : i32
    %dma_start3A_602 = tpu.memref_slice %arg6[%dma_start3A_600, %dma_start3A_601] : memref<512x64xf32, #tpu.memory_space<vmem>> -> memref<512x64xf32, #tpu.memory_space<vmem>>
    %dma_start3A_603 = arith.constant 0 : i32
    %dma_start3A_604 = tpu.memref_slice %arg5[%dma_start3A_599, %dma_start3A_603] : memref<50x512xi32, #tpu.memory_space<vmem>> -> memref<1x512xi32, #tpu.memory_space<vmem>>
    %dma_start3A_605 = tpu.memref_squeeze %dma_start3A_604 : memref<1x512xi32, #tpu.memory_space<vmem>> -> memref<512xi32, #tpu.memory_space<vmem>>
    %dma_start3A_606 = arith.constant 0 : i32
    %dma_start3A_607 = arith.constant 0 : i32
    %dma_start3A_608 = tpu.memref_slice %arg3[%dma_start3A_606, %dma_start3A_607] : memref<100001x64xf32, #tpu.memory_space<hbm>> -> memref<100001x64xf32, #tpu.memory_space<hbm>>
    tpu.enqueue_indirect_dma source(%dma_start3A_608 : memref<100001x64xf32, #tpu.memory_space<hbm>>) target(%dma_start3A_602 : memref<512x64xf32, #tpu.memory_space<vmem>>) offsets(%dma_start3A_605 : memref<512xi32, #tpu.memory_space<vmem>>) semaphore(%arg9 : memref<!tpu.dma_semaphore, #tpu.memory_space<semaphore_mem>>) {add = true}
    %dma_start3A_609 = arith.constant 39 : i32
    %dma_start3A_610 = arith.constant 0 : i32
    %dma_start3A_611 = arith.constant 0 : i32
    %dma_start3A_612 = tpu.memref_slice %arg6[%dma_start3A_610, %dma_start3A_611] : memref<512x64xf32, #tpu.memory_space<vmem>> -> memref<512x64xf32, #tpu.memory_space<vmem>>
    %dma_start3A_613 = arith.constant 0 : i32
    %dma_start3A_614 = tpu.memref_slice %arg5[%dma_start3A_609, %dma_start3A_613] : memref<50x512xi32, #tpu.memory_space<vmem>> -> memref<1x512xi32, #tpu.memory_space<vmem>>
    %dma_start3A_615 = tpu.memref_squeeze %dma_start3A_614 : memref<1x512xi32, #tpu.memory_space<vmem>> -> memref<512xi32, #tpu.memory_space<vmem>>
    %dma_start3A_616 = arith.constant 0 : i32
    %dma_start3A_617 = arith.constant 0 : i32
    %dma_start3A_618 = tpu.memref_slice %arg3[%dma_start3A_616, %dma_start3A_617] : memref<100001x64xf32, #tpu.memory_space<hbm>> -> memref<100001x64xf32, #tpu.memory_space<hbm>>
    tpu.enqueue_indirect_dma source(%dma_start3A_618 : memref<100001x64xf32, #tpu.memory_space<hbm>>) target(%dma_start3A_612 : memref<512x64xf32, #tpu.memory_space<vmem>>) offsets(%dma_start3A_615 : memref<512xi32, #tpu.memory_space<vmem>>) semaphore(%arg9 : memref<!tpu.dma_semaphore, #tpu.memory_space<semaphore_mem>>) {add = true}
    %dma_start3A_619 = arith.constant 40 : i32
    %dma_start3A_620 = arith.constant 0 : i32
    %dma_start3A_621 = arith.constant 0 : i32
    %dma_start3A_622 = tpu.memref_slice %arg6[%dma_start3A_620, %dma_start3A_621] : memref<512x64xf32, #tpu.memory_space<vmem>> -> memref<512x64xf32, #tpu.memory_space<vmem>>
    %dma_start3A_623 = arith.constant 0 : i32
    %dma_start3A_624 = tpu.memref_slice %arg5[%dma_start3A_619, %dma_start3A_623] : memref<50x512xi32, #tpu.memory_space<vmem>> -> memref<1x512xi32, #tpu.memory_space<vmem>>
    %dma_start3A_625 = tpu.memref_squeeze %dma_start3A_624 : memref<1x512xi32, #tpu.memory_space<vmem>> -> memref<512xi32, #tpu.memory_space<vmem>>
    %dma_start3A_626 = arith.constant 0 : i32
    %dma_start3A_627 = arith.constant 0 : i32
    %dma_start3A_628 = tpu.memref_slice %arg3[%dma_start3A_626, %dma_start3A_627] : memref<100001x64xf32, #tpu.memory_space<hbm>> -> memref<100001x64xf32, #tpu.memory_space<hbm>>
    tpu.enqueue_indirect_dma source(%dma_start3A_628 : memref<100001x64xf32, #tpu.memory_space<hbm>>) target(%dma_start3A_622 : memref<512x64xf32, #tpu.memory_space<vmem>>) offsets(%dma_start3A_625 : memref<512xi32, #tpu.memory_space<vmem>>) semaphore(%arg9 : memref<!tpu.dma_semaphore, #tpu.memory_space<semaphore_mem>>) {add = true}
    %dma_start3A_629 = arith.constant 41 : i32
    %dma_start3A_630 = arith.constant 0 : i32
    %dma_start3A_631 = arith.constant 0 : i32
    %dma_start3A_632 = tpu.memref_slice %arg6[%dma_start3A_630, %dma_start3A_631] : memref<512x64xf32, #tpu.memory_space<vmem>> -> memref<512x64xf32, #tpu.memory_space<vmem>>
    %dma_start3A_633 = arith.constant 0 : i32
    %dma_start3A_634 = tpu.memref_slice %arg5[%dma_start3A_629, %dma_start3A_633] : memref<50x512xi32, #tpu.memory_space<vmem>> -> memref<1x512xi32, #tpu.memory_space<vmem>>
    %dma_start3A_635 = tpu.memref_squeeze %dma_start3A_634 : memref<1x512xi32, #tpu.memory_space<vmem>> -> memref<512xi32, #tpu.memory_space<vmem>>
    %dma_start3A_636 = arith.constant 0 : i32
    %dma_start3A_637 = arith.constant 0 : i32
    %dma_start3A_638 = tpu.memref_slice %arg3[%dma_start3A_636, %dma_start3A_637] : memref<100001x64xf32, #tpu.memory_space<hbm>> -> memref<100001x64xf32, #tpu.memory_space<hbm>>
    tpu.enqueue_indirect_dma source(%dma_start3A_638 : memref<100001x64xf32, #tpu.memory_space<hbm>>) target(%dma_start3A_632 : memref<512x64xf32, #tpu.memory_space<vmem>>) offsets(%dma_start3A_635 : memref<512xi32, #tpu.memory_space<vmem>>) semaphore(%arg9 : memref<!tpu.dma_semaphore, #tpu.memory_space<semaphore_mem>>) {add = true}
    %dma_start3A_639 = arith.constant 42 : i32
    %dma_start3A_640 = arith.constant 0 : i32
    %dma_start3A_641 = arith.constant 0 : i32
    %dma_start3A_642 = tpu.memref_slice %arg6[%dma_start3A_640, %dma_start3A_641] : memref<512x64xf32, #tpu.memory_space<vmem>> -> memref<512x64xf32, #tpu.memory_space<vmem>>
    %dma_start3A_643 = arith.constant 0 : i32
    %dma_start3A_644 = tpu.memref_slice %arg5[%dma_start3A_639, %dma_start3A_643] : memref<50x512xi32, #tpu.memory_space<vmem>> -> memref<1x512xi32, #tpu.memory_space<vmem>>
    %dma_start3A_645 = tpu.memref_squeeze %dma_start3A_644 : memref<1x512xi32, #tpu.memory_space<vmem>> -> memref<512xi32, #tpu.memory_space<vmem>>
    %dma_start3A_646 = arith.constant 0 : i32
    %dma_start3A_647 = arith.constant 0 : i32
    %dma_start3A_648 = tpu.memref_slice %arg3[%dma_start3A_646, %dma_start3A_647] : memref<100001x64xf32, #tpu.memory_space<hbm>> -> memref<100001x64xf32, #tpu.memory_space<hbm>>
    tpu.enqueue_indirect_dma source(%dma_start3A_648 : memref<100001x64xf32, #tpu.memory_space<hbm>>) target(%dma_start3A_642 : memref<512x64xf32, #tpu.memory_space<vmem>>) offsets(%dma_start3A_645 : memref<512xi32, #tpu.memory_space<vmem>>) semaphore(%arg9 : memref<!tpu.dma_semaphore, #tpu.memory_space<semaphore_mem>>) {add = true}
    %dma_wait3A_649 = arith.constant 22 : i32
    %dma_wait3A_650 = arith.constant 0 : i32
    %dma_wait3A_651 = arith.constant 0 : i32
    %dma_wait3A_652 = tpu.memref_slice %arg6[%dma_wait3A_650, %dma_wait3A_651] : memref<512x64xf32, #tpu.memory_space<vmem>> -> memref<512x64xf32, #tpu.memory_space<vmem>>
    %dma_wait3A_653 = arith.constant 0 : i32
    %dma_wait3A_654 = tpu.memref_slice %arg5[%dma_wait3A_649, %dma_wait3A_653] : memref<50x512xi32, #tpu.memory_space<vmem>> -> memref<1x512xi32, #tpu.memory_space<vmem>>
    %dma_wait3A_655 = tpu.memref_squeeze %dma_wait3A_654 : memref<1x512xi32, #tpu.memory_space<vmem>> -> memref<512xi32, #tpu.memory_space<vmem>>
    %dma_wait3A_656 = arith.constant 0 : i32
    %dma_wait3A_657 = arith.constant 0 : i32
    %dma_wait3A_658 = tpu.memref_slice %arg3[%dma_wait3A_656, %dma_wait3A_657] : memref<100001x64xf32, #tpu.memory_space<hbm>> -> memref<100001x64xf32, #tpu.memory_space<hbm>>
    tpu.wait_indirect_dma semaphore(%arg7 : memref<!tpu.dma_semaphore, #tpu.memory_space<semaphore_mem>>) src(%dma_wait3A_658 : memref<100001x64xf32, #tpu.memory_space<hbm>>) dst(%dma_wait3A_652 : memref<512x64xf32, #tpu.memory_space<vmem>>)
    %dma_wait3A_659 = arith.constant 23 : i32
    %dma_wait3A_660 = arith.constant 0 : i32
    %dma_wait3A_661 = arith.constant 0 : i32
    %dma_wait3A_662 = tpu.memref_slice %arg6[%dma_wait3A_660, %dma_wait3A_661] : memref<512x64xf32, #tpu.memory_space<vmem>> -> memref<512x64xf32, #tpu.memory_space<vmem>>
    %dma_wait3A_663 = arith.constant 0 : i32
    %dma_wait3A_664 = tpu.memref_slice %arg5[%dma_wait3A_659, %dma_wait3A_663] : memref<50x512xi32, #tpu.memory_space<vmem>> -> memref<1x512xi32, #tpu.memory_space<vmem>>
    %dma_wait3A_665 = tpu.memref_squeeze %dma_wait3A_664 : memref<1x512xi32, #tpu.memory_space<vmem>> -> memref<512xi32, #tpu.memory_space<vmem>>
    %dma_wait3A_666 = arith.constant 0 : i32
    %dma_wait3A_667 = arith.constant 0 : i32
    %dma_wait3A_668 = tpu.memref_slice %arg3[%dma_wait3A_666, %dma_wait3A_667] : memref<100001x64xf32, #tpu.memory_space<hbm>> -> memref<100001x64xf32, #tpu.memory_space<hbm>>
    tpu.wait_indirect_dma semaphore(%arg7 : memref<!tpu.dma_semaphore, #tpu.memory_space<semaphore_mem>>) src(%dma_wait3A_668 : memref<100001x64xf32, #tpu.memory_space<hbm>>) dst(%dma_wait3A_662 : memref<512x64xf32, #tpu.memory_space<vmem>>)
    %dma_wait3A_669 = arith.constant 24 : i32
    %dma_wait3A_670 = arith.constant 0 : i32
    %dma_wait3A_671 = arith.constant 0 : i32
    %dma_wait3A_672 = tpu.memref_slice %arg6[%dma_wait3A_670, %dma_wait3A_671] : memref<512x64xf32, #tpu.memory_space<vmem>> -> memref<512x64xf32, #tpu.memory_space<vmem>>
    %dma_wait3A_673 = arith.constant 0 : i32
    %dma_wait3A_674 = tpu.memref_slice %arg5[%dma_wait3A_669, %dma_wait3A_673] : memref<50x512xi32, #tpu.memory_space<vmem>> -> memref<1x512xi32, #tpu.memory_space<vmem>>
    %dma_wait3A_675 = tpu.memref_squeeze %dma_wait3A_674 : memref<1x512xi32, #tpu.memory_space<vmem>> -> memref<512xi32, #tpu.memory_space<vmem>>
    %dma_wait3A_676 = arith.constant 0 : i32
    %dma_wait3A_677 = arith.constant 0 : i32
    %dma_wait3A_678 = tpu.memref_slice %arg3[%dma_wait3A_676, %dma_wait3A_677] : memref<100001x64xf32, #tpu.memory_space<hbm>> -> memref<100001x64xf32, #tpu.memory_space<hbm>>
    tpu.wait_indirect_dma semaphore(%arg7 : memref<!tpu.dma_semaphore, #tpu.memory_space<semaphore_mem>>) src(%dma_wait3A_678 : memref<100001x64xf32, #tpu.memory_space<hbm>>) dst(%dma_wait3A_672 : memref<512x64xf32, #tpu.memory_space<vmem>>)
    %dma_wait3A_679 = arith.constant 25 : i32
    %dma_wait3A_680 = arith.constant 0 : i32
    %dma_wait3A_681 = arith.constant 0 : i32
    %dma_wait3A_682 = tpu.memref_slice %arg6[%dma_wait3A_680, %dma_wait3A_681] : memref<512x64xf32, #tpu.memory_space<vmem>> -> memref<512x64xf32, #tpu.memory_space<vmem>>
    %dma_wait3A_683 = arith.constant 0 : i32
    %dma_wait3A_684 = tpu.memref_slice %arg5[%dma_wait3A_679, %dma_wait3A_683] : memref<50x512xi32, #tpu.memory_space<vmem>> -> memref<1x512xi32, #tpu.memory_space<vmem>>
    %dma_wait3A_685 = tpu.memref_squeeze %dma_wait3A_684 : memref<1x512xi32, #tpu.memory_space<vmem>> -> memref<512xi32, #tpu.memory_space<vmem>>
    %dma_wait3A_686 = arith.constant 0 : i32
    %dma_wait3A_687 = arith.constant 0 : i32
    %dma_wait3A_688 = tpu.memref_slice %arg3[%dma_wait3A_686, %dma_wait3A_687] : memref<100001x64xf32, #tpu.memory_space<hbm>> -> memref<100001x64xf32, #tpu.memory_space<hbm>>
    tpu.wait_indirect_dma semaphore(%arg7 : memref<!tpu.dma_semaphore, #tpu.memory_space<semaphore_mem>>) src(%dma_wait3A_688 : memref<100001x64xf32, #tpu.memory_space<hbm>>) dst(%dma_wait3A_682 : memref<512x64xf32, #tpu.memory_space<vmem>>)
    %dma_wait3A_689 = arith.constant 26 : i32
    %dma_wait3A_690 = arith.constant 0 : i32
    %dma_wait3A_691 = arith.constant 0 : i32
    %dma_wait3A_692 = tpu.memref_slice %arg6[%dma_wait3A_690, %dma_wait3A_691] : memref<512x64xf32, #tpu.memory_space<vmem>> -> memref<512x64xf32, #tpu.memory_space<vmem>>
    %dma_wait3A_693 = arith.constant 0 : i32
    %dma_wait3A_694 = tpu.memref_slice %arg5[%dma_wait3A_689, %dma_wait3A_693] : memref<50x512xi32, #tpu.memory_space<vmem>> -> memref<1x512xi32, #tpu.memory_space<vmem>>
    %dma_wait3A_695 = tpu.memref_squeeze %dma_wait3A_694 : memref<1x512xi32, #tpu.memory_space<vmem>> -> memref<512xi32, #tpu.memory_space<vmem>>
    %dma_wait3A_696 = arith.constant 0 : i32
    %dma_wait3A_697 = arith.constant 0 : i32
    %dma_wait3A_698 = tpu.memref_slice %arg3[%dma_wait3A_696, %dma_wait3A_697] : memref<100001x64xf32, #tpu.memory_space<hbm>> -> memref<100001x64xf32, #tpu.memory_space<hbm>>
    tpu.wait_indirect_dma semaphore(%arg7 : memref<!tpu.dma_semaphore, #tpu.memory_space<semaphore_mem>>) src(%dma_wait3A_698 : memref<100001x64xf32, #tpu.memory_space<hbm>>) dst(%dma_wait3A_692 : memref<512x64xf32, #tpu.memory_space<vmem>>)
    %dma_wait3A_699 = arith.constant 27 : i32
    %dma_wait3A_700 = arith.constant 0 : i32
    %dma_wait3A_701 = arith.constant 0 : i32
    %dma_wait3A_702 = tpu.memref_slice %arg6[%dma_wait3A_700, %dma_wait3A_701] : memref<512x64xf32, #tpu.memory_space<vmem>> -> memref<512x64xf32, #tpu.memory_space<vmem>>
    %dma_wait3A_703 = arith.constant 0 : i32
    %dma_wait3A_704 = tpu.memref_slice %arg5[%dma_wait3A_699, %dma_wait3A_703] : memref<50x512xi32, #tpu.memory_space<vmem>> -> memref<1x512xi32, #tpu.memory_space<vmem>>
    %dma_wait3A_705 = tpu.memref_squeeze %dma_wait3A_704 : memref<1x512xi32, #tpu.memory_space<vmem>> -> memref<512xi32, #tpu.memory_space<vmem>>
    %dma_wait3A_706 = arith.constant 0 : i32
    %dma_wait3A_707 = arith.constant 0 : i32
    %dma_wait3A_708 = tpu.memref_slice %arg3[%dma_wait3A_706, %dma_wait3A_707] : memref<100001x64xf32, #tpu.memory_space<hbm>> -> memref<100001x64xf32, #tpu.memory_space<hbm>>
    tpu.wait_indirect_dma semaphore(%arg7 : memref<!tpu.dma_semaphore, #tpu.memory_space<semaphore_mem>>) src(%dma_wait3A_708 : memref<100001x64xf32, #tpu.memory_space<hbm>>) dst(%dma_wait3A_702 : memref<512x64xf32, #tpu.memory_space<vmem>>)
    %dma_wait3A_709 = arith.constant 28 : i32
    %dma_wait3A_710 = arith.constant 0 : i32
    %dma_wait3A_711 = arith.constant 0 : i32
    %dma_wait3A_712 = tpu.memref_slice %arg6[%dma_wait3A_710, %dma_wait3A_711] : memref<512x64xf32, #tpu.memory_space<vmem>> -> memref<512x64xf32, #tpu.memory_space<vmem>>
    %dma_wait3A_713 = arith.constant 0 : i32
    %dma_wait3A_714 = tpu.memref_slice %arg5[%dma_wait3A_709, %dma_wait3A_713] : memref<50x512xi32, #tpu.memory_space<vmem>> -> memref<1x512xi32, #tpu.memory_space<vmem>>
    %dma_wait3A_715 = tpu.memref_squeeze %dma_wait3A_714 : memref<1x512xi32, #tpu.memory_space<vmem>> -> memref<512xi32, #tpu.memory_space<vmem>>
    %dma_wait3A_716 = arith.constant 0 : i32
    %dma_wait3A_717 = arith.constant 0 : i32
    %dma_wait3A_718 = tpu.memref_slice %arg3[%dma_wait3A_716, %dma_wait3A_717] : memref<100001x64xf32, #tpu.memory_space<hbm>> -> memref<100001x64xf32, #tpu.memory_space<hbm>>
    tpu.wait_indirect_dma semaphore(%arg7 : memref<!tpu.dma_semaphore, #tpu.memory_space<semaphore_mem>>) src(%dma_wait3A_718 : memref<100001x64xf32, #tpu.memory_space<hbm>>) dst(%dma_wait3A_712 : memref<512x64xf32, #tpu.memory_space<vmem>>)
    %dma_start3A_719 = arith.constant 43 : i32
    %dma_start3A_720 = arith.constant 0 : i32
    %dma_start3A_721 = arith.constant 0 : i32
    %dma_start3A_722 = tpu.memref_slice %arg6[%dma_start3A_720, %dma_start3A_721] : memref<512x64xf32, #tpu.memory_space<vmem>> -> memref<512x64xf32, #tpu.memory_space<vmem>>
    %dma_start3A_723 = arith.constant 0 : i32
    %dma_start3A_724 = tpu.memref_slice %arg5[%dma_start3A_719, %dma_start3A_723] : memref<50x512xi32, #tpu.memory_space<vmem>> -> memref<1x512xi32, #tpu.memory_space<vmem>>
    %dma_start3A_725 = tpu.memref_squeeze %dma_start3A_724 : memref<1x512xi32, #tpu.memory_space<vmem>> -> memref<512xi32, #tpu.memory_space<vmem>>
    %dma_start3A_726 = arith.constant 0 : i32
    %dma_start3A_727 = arith.constant 0 : i32
    %dma_start3A_728 = tpu.memref_slice %arg3[%dma_start3A_726, %dma_start3A_727] : memref<100001x64xf32, #tpu.memory_space<hbm>> -> memref<100001x64xf32, #tpu.memory_space<hbm>>
    tpu.enqueue_indirect_dma source(%dma_start3A_728 : memref<100001x64xf32, #tpu.memory_space<hbm>>) target(%dma_start3A_722 : memref<512x64xf32, #tpu.memory_space<vmem>>) offsets(%dma_start3A_725 : memref<512xi32, #tpu.memory_space<vmem>>) semaphore(%arg7 : memref<!tpu.dma_semaphore, #tpu.memory_space<semaphore_mem>>) {add = true}
    %dma_start3A_729 = arith.constant 44 : i32
    %dma_start3A_730 = arith.constant 0 : i32
    %dma_start3A_731 = arith.constant 0 : i32
    %dma_start3A_732 = tpu.memref_slice %arg6[%dma_start3A_730, %dma_start3A_731] : memref<512x64xf32, #tpu.memory_space<vmem>> -> memref<512x64xf32, #tpu.memory_space<vmem>>
    %dma_start3A_733 = arith.constant 0 : i32
    %dma_start3A_734 = tpu.memref_slice %arg5[%dma_start3A_729, %dma_start3A_733] : memref<50x512xi32, #tpu.memory_space<vmem>> -> memref<1x512xi32, #tpu.memory_space<vmem>>
    %dma_start3A_735 = tpu.memref_squeeze %dma_start3A_734 : memref<1x512xi32, #tpu.memory_space<vmem>> -> memref<512xi32, #tpu.memory_space<vmem>>
    %dma_start3A_736 = arith.constant 0 : i32
    %dma_start3A_737 = arith.constant 0 : i32
    %dma_start3A_738 = tpu.memref_slice %arg3[%dma_start3A_736, %dma_start3A_737] : memref<100001x64xf32, #tpu.memory_space<hbm>> -> memref<100001x64xf32, #tpu.memory_space<hbm>>
    tpu.enqueue_indirect_dma source(%dma_start3A_738 : memref<100001x64xf32, #tpu.memory_space<hbm>>) target(%dma_start3A_732 : memref<512x64xf32, #tpu.memory_space<vmem>>) offsets(%dma_start3A_735 : memref<512xi32, #tpu.memory_space<vmem>>) semaphore(%arg7 : memref<!tpu.dma_semaphore, #tpu.memory_space<semaphore_mem>>) {add = true}
    %dma_start3A_739 = arith.constant 45 : i32
    %dma_start3A_740 = arith.constant 0 : i32
    %dma_start3A_741 = arith.constant 0 : i32
    %dma_start3A_742 = tpu.memref_slice %arg6[%dma_start3A_740, %dma_start3A_741] : memref<512x64xf32, #tpu.memory_space<vmem>> -> memref<512x64xf32, #tpu.memory_space<vmem>>
    %dma_start3A_743 = arith.constant 0 : i32
    %dma_start3A_744 = tpu.memref_slice %arg5[%dma_start3A_739, %dma_start3A_743] : memref<50x512xi32, #tpu.memory_space<vmem>> -> memref<1x512xi32, #tpu.memory_space<vmem>>
    %dma_start3A_745 = tpu.memref_squeeze %dma_start3A_744 : memref<1x512xi32, #tpu.memory_space<vmem>> -> memref<512xi32, #tpu.memory_space<vmem>>
    %dma_start3A_746 = arith.constant 0 : i32
    %dma_start3A_747 = arith.constant 0 : i32
    %dma_start3A_748 = tpu.memref_slice %arg3[%dma_start3A_746, %dma_start3A_747] : memref<100001x64xf32, #tpu.memory_space<hbm>> -> memref<100001x64xf32, #tpu.memory_space<hbm>>
    tpu.enqueue_indirect_dma source(%dma_start3A_748 : memref<100001x64xf32, #tpu.memory_space<hbm>>) target(%dma_start3A_742 : memref<512x64xf32, #tpu.memory_space<vmem>>) offsets(%dma_start3A_745 : memref<512xi32, #tpu.memory_space<vmem>>) semaphore(%arg7 : memref<!tpu.dma_semaphore, #tpu.memory_space<semaphore_mem>>) {add = true}
    %dma_start3A_749 = arith.constant 46 : i32
    %dma_start3A_750 = arith.constant 0 : i32
    %dma_start3A_751 = arith.constant 0 : i32
    %dma_start3A_752 = tpu.memref_slice %arg6[%dma_start3A_750, %dma_start3A_751] : memref<512x64xf32, #tpu.memory_space<vmem>> -> memref<512x64xf32, #tpu.memory_space<vmem>>
    %dma_start3A_753 = arith.constant 0 : i32
    %dma_start3A_754 = tpu.memref_slice %arg5[%dma_start3A_749, %dma_start3A_753] : memref<50x512xi32, #tpu.memory_space<vmem>> -> memref<1x512xi32, #tpu.memory_space<vmem>>
    %dma_start3A_755 = tpu.memref_squeeze %dma_start3A_754 : memref<1x512xi32, #tpu.memory_space<vmem>> -> memref<512xi32, #tpu.memory_space<vmem>>
    %dma_start3A_756 = arith.constant 0 : i32
    %dma_start3A_757 = arith.constant 0 : i32
    %dma_start3A_758 = tpu.memref_slice %arg3[%dma_start3A_756, %dma_start3A_757] : memref<100001x64xf32, #tpu.memory_space<hbm>> -> memref<100001x64xf32, #tpu.memory_space<hbm>>
    tpu.enqueue_indirect_dma source(%dma_start3A_758 : memref<100001x64xf32, #tpu.memory_space<hbm>>) target(%dma_start3A_752 : memref<512x64xf32, #tpu.memory_space<vmem>>) offsets(%dma_start3A_755 : memref<512xi32, #tpu.memory_space<vmem>>) semaphore(%arg7 : memref<!tpu.dma_semaphore, #tpu.memory_space<semaphore_mem>>) {add = true}
    %dma_start3A_759 = arith.constant 47 : i32
    %dma_start3A_760 = arith.constant 0 : i32
    %dma_start3A_761 = arith.constant 0 : i32
    %dma_start3A_762 = tpu.memref_slice %arg6[%dma_start3A_760, %dma_start3A_761] : memref<512x64xf32, #tpu.memory_space<vmem>> -> memref<512x64xf32, #tpu.memory_space<vmem>>
    %dma_start3A_763 = arith.constant 0 : i32
    %dma_start3A_764 = tpu.memref_slice %arg5[%dma_start3A_759, %dma_start3A_763] : memref<50x512xi32, #tpu.memory_space<vmem>> -> memref<1x512xi32, #tpu.memory_space<vmem>>
    %dma_start3A_765 = tpu.memref_squeeze %dma_start3A_764 : memref<1x512xi32, #tpu.memory_space<vmem>> -> memref<512xi32, #tpu.memory_space<vmem>>
    %dma_start3A_766 = arith.constant 0 : i32
    %dma_start3A_767 = arith.constant 0 : i32
    %dma_start3A_768 = tpu.memref_slice %arg3[%dma_start3A_766, %dma_start3A_767] : memref<100001x64xf32, #tpu.memory_space<hbm>> -> memref<100001x64xf32, #tpu.memory_space<hbm>>
    tpu.enqueue_indirect_dma source(%dma_start3A_768 : memref<100001x64xf32, #tpu.memory_space<hbm>>) target(%dma_start3A_762 : memref<512x64xf32, #tpu.memory_space<vmem>>) offsets(%dma_start3A_765 : memref<512xi32, #tpu.memory_space<vmem>>) semaphore(%arg7 : memref<!tpu.dma_semaphore, #tpu.memory_space<semaphore_mem>>) {add = true}
    %dma_start3A_769 = arith.constant 48 : i32
    %dma_start3A_770 = arith.constant 0 : i32
    %dma_start3A_771 = arith.constant 0 : i32
    %dma_start3A_772 = tpu.memref_slice %arg6[%dma_start3A_770, %dma_start3A_771] : memref<512x64xf32, #tpu.memory_space<vmem>> -> memref<512x64xf32, #tpu.memory_space<vmem>>
    %dma_start3A_773 = arith.constant 0 : i32
    %dma_start3A_774 = tpu.memref_slice %arg5[%dma_start3A_769, %dma_start3A_773] : memref<50x512xi32, #tpu.memory_space<vmem>> -> memref<1x512xi32, #tpu.memory_space<vmem>>
    %dma_start3A_775 = tpu.memref_squeeze %dma_start3A_774 : memref<1x512xi32, #tpu.memory_space<vmem>> -> memref<512xi32, #tpu.memory_space<vmem>>
    %dma_start3A_776 = arith.constant 0 : i32
    %dma_start3A_777 = arith.constant 0 : i32
    %dma_start3A_778 = tpu.memref_slice %arg3[%dma_start3A_776, %dma_start3A_777] : memref<100001x64xf32, #tpu.memory_space<hbm>> -> memref<100001x64xf32, #tpu.memory_space<hbm>>
    tpu.enqueue_indirect_dma source(%dma_start3A_778 : memref<100001x64xf32, #tpu.memory_space<hbm>>) target(%dma_start3A_772 : memref<512x64xf32, #tpu.memory_space<vmem>>) offsets(%dma_start3A_775 : memref<512xi32, #tpu.memory_space<vmem>>) semaphore(%arg7 : memref<!tpu.dma_semaphore, #tpu.memory_space<semaphore_mem>>) {add = true}
    %dma_start3A_779 = arith.constant 49 : i32
    %dma_start3A_780 = arith.constant 0 : i32
    %dma_start3A_781 = arith.constant 0 : i32
    %dma_start3A_782 = tpu.memref_slice %arg6[%dma_start3A_780, %dma_start3A_781] : memref<512x64xf32, #tpu.memory_space<vmem>> -> memref<512x64xf32, #tpu.memory_space<vmem>>
    %dma_start3A_783 = arith.constant 0 : i32
    %dma_start3A_784 = tpu.memref_slice %arg5[%dma_start3A_779, %dma_start3A_783] : memref<50x512xi32, #tpu.memory_space<vmem>> -> memref<1x512xi32, #tpu.memory_space<vmem>>
    %dma_start3A_785 = tpu.memref_squeeze %dma_start3A_784 : memref<1x512xi32, #tpu.memory_space<vmem>> -> memref<512xi32, #tpu.memory_space<vmem>>
    %dma_start3A_786 = arith.constant 0 : i32
    %dma_start3A_787 = arith.constant 0 : i32
    %dma_start3A_788 = tpu.memref_slice %arg3[%dma_start3A_786, %dma_start3A_787] : memref<100001x64xf32, #tpu.memory_space<hbm>> -> memref<100001x64xf32, #tpu.memory_space<hbm>>
    tpu.enqueue_indirect_dma source(%dma_start3A_788 : memref<100001x64xf32, #tpu.memory_space<hbm>>) target(%dma_start3A_782 : memref<512x64xf32, #tpu.memory_space<vmem>>) offsets(%dma_start3A_785 : memref<512xi32, #tpu.memory_space<vmem>>) semaphore(%arg7 : memref<!tpu.dma_semaphore, #tpu.memory_space<semaphore_mem>>) {add = true}
    %dma_wait3A_789 = arith.constant 29 : i32
    %dma_wait3A_790 = arith.constant 0 : i32
    %dma_wait3A_791 = arith.constant 0 : i32
    %dma_wait3A_792 = tpu.memref_slice %arg6[%dma_wait3A_790, %dma_wait3A_791] : memref<512x64xf32, #tpu.memory_space<vmem>> -> memref<512x64xf32, #tpu.memory_space<vmem>>
    %dma_wait3A_793 = arith.constant 0 : i32
    %dma_wait3A_794 = tpu.memref_slice %arg5[%dma_wait3A_789, %dma_wait3A_793] : memref<50x512xi32, #tpu.memory_space<vmem>> -> memref<1x512xi32, #tpu.memory_space<vmem>>
    %dma_wait3A_795 = tpu.memref_squeeze %dma_wait3A_794 : memref<1x512xi32, #tpu.memory_space<vmem>> -> memref<512xi32, #tpu.memory_space<vmem>>
    %dma_wait3A_796 = arith.constant 0 : i32
    %dma_wait3A_797 = arith.constant 0 : i32
    %dma_wait3A_798 = tpu.memref_slice %arg3[%dma_wait3A_796, %dma_wait3A_797] : memref<100001x64xf32, #tpu.memory_space<hbm>> -> memref<100001x64xf32, #tpu.memory_space<hbm>>
    tpu.wait_indirect_dma semaphore(%arg8 : memref<!tpu.dma_semaphore, #tpu.memory_space<semaphore_mem>>) src(%dma_wait3A_798 : memref<100001x64xf32, #tpu.memory_space<hbm>>) dst(%dma_wait3A_792 : memref<512x64xf32, #tpu.memory_space<vmem>>)
    %dma_wait3A_799 = arith.constant 30 : i32
    %dma_wait3A_800 = arith.constant 0 : i32
    %dma_wait3A_801 = arith.constant 0 : i32
    %dma_wait3A_802 = tpu.memref_slice %arg6[%dma_wait3A_800, %dma_wait3A_801] : memref<512x64xf32, #tpu.memory_space<vmem>> -> memref<512x64xf32, #tpu.memory_space<vmem>>
    %dma_wait3A_803 = arith.constant 0 : i32
    %dma_wait3A_804 = tpu.memref_slice %arg5[%dma_wait3A_799, %dma_wait3A_803] : memref<50x512xi32, #tpu.memory_space<vmem>> -> memref<1x512xi32, #tpu.memory_space<vmem>>
    %dma_wait3A_805 = tpu.memref_squeeze %dma_wait3A_804 : memref<1x512xi32, #tpu.memory_space<vmem>> -> memref<512xi32, #tpu.memory_space<vmem>>
    %dma_wait3A_806 = arith.constant 0 : i32
    %dma_wait3A_807 = arith.constant 0 : i32
    %dma_wait3A_808 = tpu.memref_slice %arg3[%dma_wait3A_806, %dma_wait3A_807] : memref<100001x64xf32, #tpu.memory_space<hbm>> -> memref<100001x64xf32, #tpu.memory_space<hbm>>
    tpu.wait_indirect_dma semaphore(%arg8 : memref<!tpu.dma_semaphore, #tpu.memory_space<semaphore_mem>>) src(%dma_wait3A_808 : memref<100001x64xf32, #tpu.memory_space<hbm>>) dst(%dma_wait3A_802 : memref<512x64xf32, #tpu.memory_space<vmem>>)
    %dma_wait3A_809 = arith.constant 31 : i32
    %dma_wait3A_810 = arith.constant 0 : i32
    %dma_wait3A_811 = arith.constant 0 : i32
    %dma_wait3A_812 = tpu.memref_slice %arg6[%dma_wait3A_810, %dma_wait3A_811] : memref<512x64xf32, #tpu.memory_space<vmem>> -> memref<512x64xf32, #tpu.memory_space<vmem>>
    %dma_wait3A_813 = arith.constant 0 : i32
    %dma_wait3A_814 = tpu.memref_slice %arg5[%dma_wait3A_809, %dma_wait3A_813] : memref<50x512xi32, #tpu.memory_space<vmem>> -> memref<1x512xi32, #tpu.memory_space<vmem>>
    %dma_wait3A_815 = tpu.memref_squeeze %dma_wait3A_814 : memref<1x512xi32, #tpu.memory_space<vmem>> -> memref<512xi32, #tpu.memory_space<vmem>>
    %dma_wait3A_816 = arith.constant 0 : i32
    %dma_wait3A_817 = arith.constant 0 : i32
    %dma_wait3A_818 = tpu.memref_slice %arg3[%dma_wait3A_816, %dma_wait3A_817] : memref<100001x64xf32, #tpu.memory_space<hbm>> -> memref<100001x64xf32, #tpu.memory_space<hbm>>
    tpu.wait_indirect_dma semaphore(%arg8 : memref<!tpu.dma_semaphore, #tpu.memory_space<semaphore_mem>>) src(%dma_wait3A_818 : memref<100001x64xf32, #tpu.memory_space<hbm>>) dst(%dma_wait3A_812 : memref<512x64xf32, #tpu.memory_space<vmem>>)
    %dma_wait3A_819 = arith.constant 32 : i32
    %dma_wait3A_820 = arith.constant 0 : i32
    %dma_wait3A_821 = arith.constant 0 : i32
    %dma_wait3A_822 = tpu.memref_slice %arg6[%dma_wait3A_820, %dma_wait3A_821] : memref<512x64xf32, #tpu.memory_space<vmem>> -> memref<512x64xf32, #tpu.memory_space<vmem>>
    %dma_wait3A_823 = arith.constant 0 : i32
    %dma_wait3A_824 = tpu.memref_slice %arg5[%dma_wait3A_819, %dma_wait3A_823] : memref<50x512xi32, #tpu.memory_space<vmem>> -> memref<1x512xi32, #tpu.memory_space<vmem>>
    %dma_wait3A_825 = tpu.memref_squeeze %dma_wait3A_824 : memref<1x512xi32, #tpu.memory_space<vmem>> -> memref<512xi32, #tpu.memory_space<vmem>>
    %dma_wait3A_826 = arith.constant 0 : i32
    %dma_wait3A_827 = arith.constant 0 : i32
    %dma_wait3A_828 = tpu.memref_slice %arg3[%dma_wait3A_826, %dma_wait3A_827] : memref<100001x64xf32, #tpu.memory_space<hbm>> -> memref<100001x64xf32, #tpu.memory_space<hbm>>
    tpu.wait_indirect_dma semaphore(%arg8 : memref<!tpu.dma_semaphore, #tpu.memory_space<semaphore_mem>>) src(%dma_wait3A_828 : memref<100001x64xf32, #tpu.memory_space<hbm>>) dst(%dma_wait3A_822 : memref<512x64xf32, #tpu.memory_space<vmem>>)
    %dma_wait3A_829 = arith.constant 33 : i32
    %dma_wait3A_830 = arith.constant 0 : i32
    %dma_wait3A_831 = arith.constant 0 : i32
    %dma_wait3A_832 = tpu.memref_slice %arg6[%dma_wait3A_830, %dma_wait3A_831] : memref<512x64xf32, #tpu.memory_space<vmem>> -> memref<512x64xf32, #tpu.memory_space<vmem>>
    %dma_wait3A_833 = arith.constant 0 : i32
    %dma_wait3A_834 = tpu.memref_slice %arg5[%dma_wait3A_829, %dma_wait3A_833] : memref<50x512xi32, #tpu.memory_space<vmem>> -> memref<1x512xi32, #tpu.memory_space<vmem>>
    %dma_wait3A_835 = tpu.memref_squeeze %dma_wait3A_834 : memref<1x512xi32, #tpu.memory_space<vmem>> -> memref<512xi32, #tpu.memory_space<vmem>>
    %dma_wait3A_836 = arith.constant 0 : i32
    %dma_wait3A_837 = arith.constant 0 : i32
    %dma_wait3A_838 = tpu.memref_slice %arg3[%dma_wait3A_836, %dma_wait3A_837] : memref<100001x64xf32, #tpu.memory_space<hbm>> -> memref<100001x64xf32, #tpu.memory_space<hbm>>
    tpu.wait_indirect_dma semaphore(%arg8 : memref<!tpu.dma_semaphore, #tpu.memory_space<semaphore_mem>>) src(%dma_wait3A_838 : memref<100001x64xf32, #tpu.memory_space<hbm>>) dst(%dma_wait3A_832 : memref<512x64xf32, #tpu.memory_space<vmem>>)
    %dma_wait3A_839 = arith.constant 34 : i32
    %dma_wait3A_840 = arith.constant 0 : i32
    %dma_wait3A_841 = arith.constant 0 : i32
    %dma_wait3A_842 = tpu.memref_slice %arg6[%dma_wait3A_840, %dma_wait3A_841] : memref<512x64xf32, #tpu.memory_space<vmem>> -> memref<512x64xf32, #tpu.memory_space<vmem>>
    %dma_wait3A_843 = arith.constant 0 : i32
    %dma_wait3A_844 = tpu.memref_slice %arg5[%dma_wait3A_839, %dma_wait3A_843] : memref<50x512xi32, #tpu.memory_space<vmem>> -> memref<1x512xi32, #tpu.memory_space<vmem>>
    %dma_wait3A_845 = tpu.memref_squeeze %dma_wait3A_844 : memref<1x512xi32, #tpu.memory_space<vmem>> -> memref<512xi32, #tpu.memory_space<vmem>>
    %dma_wait3A_846 = arith.constant 0 : i32
    %dma_wait3A_847 = arith.constant 0 : i32
    %dma_wait3A_848 = tpu.memref_slice %arg3[%dma_wait3A_846, %dma_wait3A_847] : memref<100001x64xf32, #tpu.memory_space<hbm>> -> memref<100001x64xf32, #tpu.memory_space<hbm>>
    tpu.wait_indirect_dma semaphore(%arg8 : memref<!tpu.dma_semaphore, #tpu.memory_space<semaphore_mem>>) src(%dma_wait3A_848 : memref<100001x64xf32, #tpu.memory_space<hbm>>) dst(%dma_wait3A_842 : memref<512x64xf32, #tpu.memory_space<vmem>>)
    %dma_wait3A_849 = arith.constant 35 : i32
    %dma_wait3A_850 = arith.constant 0 : i32
    %dma_wait3A_851 = arith.constant 0 : i32
    %dma_wait3A_852 = tpu.memref_slice %arg6[%dma_wait3A_850, %dma_wait3A_851] : memref<512x64xf32, #tpu.memory_space<vmem>> -> memref<512x64xf32, #tpu.memory_space<vmem>>
    %dma_wait3A_853 = arith.constant 0 : i32
    %dma_wait3A_854 = tpu.memref_slice %arg5[%dma_wait3A_849, %dma_wait3A_853] : memref<50x512xi32, #tpu.memory_space<vmem>> -> memref<1x512xi32, #tpu.memory_space<vmem>>
    %dma_wait3A_855 = tpu.memref_squeeze %dma_wait3A_854 : memref<1x512xi32, #tpu.memory_space<vmem>> -> memref<512xi32, #tpu.memory_space<vmem>>
    %dma_wait3A_856 = arith.constant 0 : i32
    %dma_wait3A_857 = arith.constant 0 : i32
    %dma_wait3A_858 = tpu.memref_slice %arg3[%dma_wait3A_856, %dma_wait3A_857] : memref<100001x64xf32, #tpu.memory_space<hbm>> -> memref<100001x64xf32, #tpu.memory_space<hbm>>
    tpu.wait_indirect_dma semaphore(%arg8 : memref<!tpu.dma_semaphore, #tpu.memory_space<semaphore_mem>>) src(%dma_wait3A_858 : memref<100001x64xf32, #tpu.memory_space<hbm>>) dst(%dma_wait3A_852 : memref<512x64xf32, #tpu.memory_space<vmem>>)
    %dma_wait3A_859 = arith.constant 36 : i32
    %dma_wait3A_860 = arith.constant 0 : i32
    %dma_wait3A_861 = arith.constant 0 : i32
    %dma_wait3A_862 = tpu.memref_slice %arg6[%dma_wait3A_860, %dma_wait3A_861] : memref<512x64xf32, #tpu.memory_space<vmem>> -> memref<512x64xf32, #tpu.memory_space<vmem>>
    %dma_wait3A_863 = arith.constant 0 : i32
    %dma_wait3A_864 = tpu.memref_slice %arg5[%dma_wait3A_859, %dma_wait3A_863] : memref<50x512xi32, #tpu.memory_space<vmem>> -> memref<1x512xi32, #tpu.memory_space<vmem>>
    %dma_wait3A_865 = tpu.memref_squeeze %dma_wait3A_864 : memref<1x512xi32, #tpu.memory_space<vmem>> -> memref<512xi32, #tpu.memory_space<vmem>>
    %dma_wait3A_866 = arith.constant 0 : i32
    %dma_wait3A_867 = arith.constant 0 : i32
    %dma_wait3A_868 = tpu.memref_slice %arg3[%dma_wait3A_866, %dma_wait3A_867] : memref<100001x64xf32, #tpu.memory_space<hbm>> -> memref<100001x64xf32, #tpu.memory_space<hbm>>
    tpu.wait_indirect_dma semaphore(%arg9 : memref<!tpu.dma_semaphore, #tpu.memory_space<semaphore_mem>>) src(%dma_wait3A_868 : memref<100001x64xf32, #tpu.memory_space<hbm>>) dst(%dma_wait3A_862 : memref<512x64xf32, #tpu.memory_space<vmem>>)
    %dma_wait3A_869 = arith.constant 37 : i32
    %dma_wait3A_870 = arith.constant 0 : i32
    %dma_wait3A_871 = arith.constant 0 : i32
    %dma_wait3A_872 = tpu.memref_slice %arg6[%dma_wait3A_870, %dma_wait3A_871] : memref<512x64xf32, #tpu.memory_space<vmem>> -> memref<512x64xf32, #tpu.memory_space<vmem>>
    %dma_wait3A_873 = arith.constant 0 : i32
    %dma_wait3A_874 = tpu.memref_slice %arg5[%dma_wait3A_869, %dma_wait3A_873] : memref<50x512xi32, #tpu.memory_space<vmem>> -> memref<1x512xi32, #tpu.memory_space<vmem>>
    %dma_wait3A_875 = tpu.memref_squeeze %dma_wait3A_874 : memref<1x512xi32, #tpu.memory_space<vmem>> -> memref<512xi32, #tpu.memory_space<vmem>>
    %dma_wait3A_876 = arith.constant 0 : i32
    %dma_wait3A_877 = arith.constant 0 : i32
    %dma_wait3A_878 = tpu.memref_slice %arg3[%dma_wait3A_876, %dma_wait3A_877] : memref<100001x64xf32, #tpu.memory_space<hbm>> -> memref<100001x64xf32, #tpu.memory_space<hbm>>
    tpu.wait_indirect_dma semaphore(%arg9 : memref<!tpu.dma_semaphore, #tpu.memory_space<semaphore_mem>>) src(%dma_wait3A_878 : memref<100001x64xf32, #tpu.memory_space<hbm>>) dst(%dma_wait3A_872 : memref<512x64xf32, #tpu.memory_space<vmem>>)
    %dma_wait3A_879 = arith.constant 38 : i32
    %dma_wait3A_880 = arith.constant 0 : i32
    %dma_wait3A_881 = arith.constant 0 : i32
    %dma_wait3A_882 = tpu.memref_slice %arg6[%dma_wait3A_880, %dma_wait3A_881] : memref<512x64xf32, #tpu.memory_space<vmem>> -> memref<512x64xf32, #tpu.memory_space<vmem>>
    %dma_wait3A_883 = arith.constant 0 : i32
    %dma_wait3A_884 = tpu.memref_slice %arg5[%dma_wait3A_879, %dma_wait3A_883] : memref<50x512xi32, #tpu.memory_space<vmem>> -> memref<1x512xi32, #tpu.memory_space<vmem>>
    %dma_wait3A_885 = tpu.memref_squeeze %dma_wait3A_884 : memref<1x512xi32, #tpu.memory_space<vmem>> -> memref<512xi32, #tpu.memory_space<vmem>>
    %dma_wait3A_886 = arith.constant 0 : i32
    %dma_wait3A_887 = arith.constant 0 : i32
    %dma_wait3A_888 = tpu.memref_slice %arg3[%dma_wait3A_886, %dma_wait3A_887] : memref<100001x64xf32, #tpu.memory_space<hbm>> -> memref<100001x64xf32, #tpu.memory_space<hbm>>
    tpu.wait_indirect_dma semaphore(%arg9 : memref<!tpu.dma_semaphore, #tpu.memory_space<semaphore_mem>>) src(%dma_wait3A_888 : memref<100001x64xf32, #tpu.memory_space<hbm>>) dst(%dma_wait3A_882 : memref<512x64xf32, #tpu.memory_space<vmem>>)
    %dma_wait3A_889 = arith.constant 39 : i32
    %dma_wait3A_890 = arith.constant 0 : i32
    %dma_wait3A_891 = arith.constant 0 : i32
    %dma_wait3A_892 = tpu.memref_slice %arg6[%dma_wait3A_890, %dma_wait3A_891] : memref<512x64xf32, #tpu.memory_space<vmem>> -> memref<512x64xf32, #tpu.memory_space<vmem>>
    %dma_wait3A_893 = arith.constant 0 : i32
    %dma_wait3A_894 = tpu.memref_slice %arg5[%dma_wait3A_889, %dma_wait3A_893] : memref<50x512xi32, #tpu.memory_space<vmem>> -> memref<1x512xi32, #tpu.memory_space<vmem>>
    %dma_wait3A_895 = tpu.memref_squeeze %dma_wait3A_894 : memref<1x512xi32, #tpu.memory_space<vmem>> -> memref<512xi32, #tpu.memory_space<vmem>>
    %dma_wait3A_896 = arith.constant 0 : i32
    %dma_wait3A_897 = arith.constant 0 : i32
    %dma_wait3A_898 = tpu.memref_slice %arg3[%dma_wait3A_896, %dma_wait3A_897] : memref<100001x64xf32, #tpu.memory_space<hbm>> -> memref<100001x64xf32, #tpu.memory_space<hbm>>
    tpu.wait_indirect_dma semaphore(%arg9 : memref<!tpu.dma_semaphore, #tpu.memory_space<semaphore_mem>>) src(%dma_wait3A_898 : memref<100001x64xf32, #tpu.memory_space<hbm>>) dst(%dma_wait3A_892 : memref<512x64xf32, #tpu.memory_space<vmem>>)
    %dma_wait3A_899 = arith.constant 40 : i32
    %dma_wait3A_900 = arith.constant 0 : i32
    %dma_wait3A_901 = arith.constant 0 : i32
    %dma_wait3A_902 = tpu.memref_slice %arg6[%dma_wait3A_900, %dma_wait3A_901] : memref<512x64xf32, #tpu.memory_space<vmem>> -> memref<512x64xf32, #tpu.memory_space<vmem>>
    %dma_wait3A_903 = arith.constant 0 : i32
    %dma_wait3A_904 = tpu.memref_slice %arg5[%dma_wait3A_899, %dma_wait3A_903] : memref<50x512xi32, #tpu.memory_space<vmem>> -> memref<1x512xi32, #tpu.memory_space<vmem>>
    %dma_wait3A_905 = tpu.memref_squeeze %dma_wait3A_904 : memref<1x512xi32, #tpu.memory_space<vmem>> -> memref<512xi32, #tpu.memory_space<vmem>>
    %dma_wait3A_906 = arith.constant 0 : i32
    %dma_wait3A_907 = arith.constant 0 : i32
    %dma_wait3A_908 = tpu.memref_slice %arg3[%dma_wait3A_906, %dma_wait3A_907] : memref<100001x64xf32, #tpu.memory_space<hbm>> -> memref<100001x64xf32, #tpu.memory_space<hbm>>
    tpu.wait_indirect_dma semaphore(%arg9 : memref<!tpu.dma_semaphore, #tpu.memory_space<semaphore_mem>>) src(%dma_wait3A_908 : memref<100001x64xf32, #tpu.memory_space<hbm>>) dst(%dma_wait3A_902 : memref<512x64xf32, #tpu.memory_space<vmem>>)
    %dma_wait3A_909 = arith.constant 41 : i32
    %dma_wait3A_910 = arith.constant 0 : i32
    %dma_wait3A_911 = arith.constant 0 : i32
    %dma_wait3A_912 = tpu.memref_slice %arg6[%dma_wait3A_910, %dma_wait3A_911] : memref<512x64xf32, #tpu.memory_space<vmem>> -> memref<512x64xf32, #tpu.memory_space<vmem>>
    %dma_wait3A_913 = arith.constant 0 : i32
    %dma_wait3A_914 = tpu.memref_slice %arg5[%dma_wait3A_909, %dma_wait3A_913] : memref<50x512xi32, #tpu.memory_space<vmem>> -> memref<1x512xi32, #tpu.memory_space<vmem>>
    %dma_wait3A_915 = tpu.memref_squeeze %dma_wait3A_914 : memref<1x512xi32, #tpu.memory_space<vmem>> -> memref<512xi32, #tpu.memory_space<vmem>>
    %dma_wait3A_916 = arith.constant 0 : i32
    %dma_wait3A_917 = arith.constant 0 : i32
    %dma_wait3A_918 = tpu.memref_slice %arg3[%dma_wait3A_916, %dma_wait3A_917] : memref<100001x64xf32, #tpu.memory_space<hbm>> -> memref<100001x64xf32, #tpu.memory_space<hbm>>
    tpu.wait_indirect_dma semaphore(%arg9 : memref<!tpu.dma_semaphore, #tpu.memory_space<semaphore_mem>>) src(%dma_wait3A_918 : memref<100001x64xf32, #tpu.memory_space<hbm>>) dst(%dma_wait3A_912 : memref<512x64xf32, #tpu.memory_space<vmem>>)
    %dma_wait3A_919 = arith.constant 42 : i32
    %dma_wait3A_920 = arith.constant 0 : i32
    %dma_wait3A_921 = arith.constant 0 : i32
    %dma_wait3A_922 = tpu.memref_slice %arg6[%dma_wait3A_920, %dma_wait3A_921] : memref<512x64xf32, #tpu.memory_space<vmem>> -> memref<512x64xf32, #tpu.memory_space<vmem>>
    %dma_wait3A_923 = arith.constant 0 : i32
    %dma_wait3A_924 = tpu.memref_slice %arg5[%dma_wait3A_919, %dma_wait3A_923] : memref<50x512xi32, #tpu.memory_space<vmem>> -> memref<1x512xi32, #tpu.memory_space<vmem>>
    %dma_wait3A_925 = tpu.memref_squeeze %dma_wait3A_924 : memref<1x512xi32, #tpu.memory_space<vmem>> -> memref<512xi32, #tpu.memory_space<vmem>>
    %dma_wait3A_926 = arith.constant 0 : i32
    %dma_wait3A_927 = arith.constant 0 : i32
    %dma_wait3A_928 = tpu.memref_slice %arg3[%dma_wait3A_926, %dma_wait3A_927] : memref<100001x64xf32, #tpu.memory_space<hbm>> -> memref<100001x64xf32, #tpu.memory_space<hbm>>
    tpu.wait_indirect_dma semaphore(%arg9 : memref<!tpu.dma_semaphore, #tpu.memory_space<semaphore_mem>>) src(%dma_wait3A_928 : memref<100001x64xf32, #tpu.memory_space<hbm>>) dst(%dma_wait3A_922 : memref<512x64xf32, #tpu.memory_space<vmem>>)
    %dma_wait3A_929 = arith.constant 43 : i32
    %dma_wait3A_930 = arith.constant 0 : i32
    %dma_wait3A_931 = arith.constant 0 : i32
    %dma_wait3A_932 = tpu.memref_slice %arg6[%dma_wait3A_930, %dma_wait3A_931] : memref<512x64xf32, #tpu.memory_space<vmem>> -> memref<512x64xf32, #tpu.memory_space<vmem>>
    %dma_wait3A_933 = arith.constant 0 : i32
    %dma_wait3A_934 = tpu.memref_slice %arg5[%dma_wait3A_929, %dma_wait3A_933] : memref<50x512xi32, #tpu.memory_space<vmem>> -> memref<1x512xi32, #tpu.memory_space<vmem>>
    %dma_wait3A_935 = tpu.memref_squeeze %dma_wait3A_934 : memref<1x512xi32, #tpu.memory_space<vmem>> -> memref<512xi32, #tpu.memory_space<vmem>>
    %dma_wait3A_936 = arith.constant 0 : i32
    %dma_wait3A_937 = arith.constant 0 : i32
    %dma_wait3A_938 = tpu.memref_slice %arg3[%dma_wait3A_936, %dma_wait3A_937] : memref<100001x64xf32, #tpu.memory_space<hbm>> -> memref<100001x64xf32, #tpu.memory_space<hbm>>
    tpu.wait_indirect_dma semaphore(%arg7 : memref<!tpu.dma_semaphore, #tpu.memory_space<semaphore_mem>>) src(%dma_wait3A_938 : memref<100001x64xf32, #tpu.memory_space<hbm>>) dst(%dma_wait3A_932 : memref<512x64xf32, #tpu.memory_space<vmem>>)
    %dma_wait3A_939 = arith.constant 44 : i32
    %dma_wait3A_940 = arith.constant 0 : i32
    %dma_wait3A_941 = arith.constant 0 : i32
    %dma_wait3A_942 = tpu.memref_slice %arg6[%dma_wait3A_940, %dma_wait3A_941] : memref<512x64xf32, #tpu.memory_space<vmem>> -> memref<512x64xf32, #tpu.memory_space<vmem>>
    %dma_wait3A_943 = arith.constant 0 : i32
    %dma_wait3A_944 = tpu.memref_slice %arg5[%dma_wait3A_939, %dma_wait3A_943] : memref<50x512xi32, #tpu.memory_space<vmem>> -> memref<1x512xi32, #tpu.memory_space<vmem>>
    %dma_wait3A_945 = tpu.memref_squeeze %dma_wait3A_944 : memref<1x512xi32, #tpu.memory_space<vmem>> -> memref<512xi32, #tpu.memory_space<vmem>>
    %dma_wait3A_946 = arith.constant 0 : i32
    %dma_wait3A_947 = arith.constant 0 : i32
    %dma_wait3A_948 = tpu.memref_slice %arg3[%dma_wait3A_946, %dma_wait3A_947] : memref<100001x64xf32, #tpu.memory_space<hbm>> -> memref<100001x64xf32, #tpu.memory_space<hbm>>
    tpu.wait_indirect_dma semaphore(%arg7 : memref<!tpu.dma_semaphore, #tpu.memory_space<semaphore_mem>>) src(%dma_wait3A_948 : memref<100001x64xf32, #tpu.memory_space<hbm>>) dst(%dma_wait3A_942 : memref<512x64xf32, #tpu.memory_space<vmem>>)
    %dma_wait3A_949 = arith.constant 45 : i32
    %dma_wait3A_950 = arith.constant 0 : i32
    %dma_wait3A_951 = arith.constant 0 : i32
    %dma_wait3A_952 = tpu.memref_slice %arg6[%dma_wait3A_950, %dma_wait3A_951] : memref<512x64xf32, #tpu.memory_space<vmem>> -> memref<512x64xf32, #tpu.memory_space<vmem>>
    %dma_wait3A_953 = arith.constant 0 : i32
    %dma_wait3A_954 = tpu.memref_slice %arg5[%dma_wait3A_949, %dma_wait3A_953] : memref<50x512xi32, #tpu.memory_space<vmem>> -> memref<1x512xi32, #tpu.memory_space<vmem>>
    %dma_wait3A_955 = tpu.memref_squeeze %dma_wait3A_954 : memref<1x512xi32, #tpu.memory_space<vmem>> -> memref<512xi32, #tpu.memory_space<vmem>>
    %dma_wait3A_956 = arith.constant 0 : i32
    %dma_wait3A_957 = arith.constant 0 : i32
    %dma_wait3A_958 = tpu.memref_slice %arg3[%dma_wait3A_956, %dma_wait3A_957] : memref<100001x64xf32, #tpu.memory_space<hbm>> -> memref<100001x64xf32, #tpu.memory_space<hbm>>
    tpu.wait_indirect_dma semaphore(%arg7 : memref<!tpu.dma_semaphore, #tpu.memory_space<semaphore_mem>>) src(%dma_wait3A_958 : memref<100001x64xf32, #tpu.memory_space<hbm>>) dst(%dma_wait3A_952 : memref<512x64xf32, #tpu.memory_space<vmem>>)
    %dma_wait3A_959 = arith.constant 46 : i32
    %dma_wait3A_960 = arith.constant 0 : i32
    %dma_wait3A_961 = arith.constant 0 : i32
    %dma_wait3A_962 = tpu.memref_slice %arg6[%dma_wait3A_960, %dma_wait3A_961] : memref<512x64xf32, #tpu.memory_space<vmem>> -> memref<512x64xf32, #tpu.memory_space<vmem>>
    %dma_wait3A_963 = arith.constant 0 : i32
    %dma_wait3A_964 = tpu.memref_slice %arg5[%dma_wait3A_959, %dma_wait3A_963] : memref<50x512xi32, #tpu.memory_space<vmem>> -> memref<1x512xi32, #tpu.memory_space<vmem>>
    %dma_wait3A_965 = tpu.memref_squeeze %dma_wait3A_964 : memref<1x512xi32, #tpu.memory_space<vmem>> -> memref<512xi32, #tpu.memory_space<vmem>>
    %dma_wait3A_966 = arith.constant 0 : i32
    %dma_wait3A_967 = arith.constant 0 : i32
    %dma_wait3A_968 = tpu.memref_slice %arg3[%dma_wait3A_966, %dma_wait3A_967] : memref<100001x64xf32, #tpu.memory_space<hbm>> -> memref<100001x64xf32, #tpu.memory_space<hbm>>
    tpu.wait_indirect_dma semaphore(%arg7 : memref<!tpu.dma_semaphore, #tpu.memory_space<semaphore_mem>>) src(%dma_wait3A_968 : memref<100001x64xf32, #tpu.memory_space<hbm>>) dst(%dma_wait3A_962 : memref<512x64xf32, #tpu.memory_space<vmem>>)
    %dma_wait3A_969 = arith.constant 47 : i32
    %dma_wait3A_970 = arith.constant 0 : i32
    %dma_wait3A_971 = arith.constant 0 : i32
    %dma_wait3A_972 = tpu.memref_slice %arg6[%dma_wait3A_970, %dma_wait3A_971] : memref<512x64xf32, #tpu.memory_space<vmem>> -> memref<512x64xf32, #tpu.memory_space<vmem>>
    %dma_wait3A_973 = arith.constant 0 : i32
    %dma_wait3A_974 = tpu.memref_slice %arg5[%dma_wait3A_969, %dma_wait3A_973] : memref<50x512xi32, #tpu.memory_space<vmem>> -> memref<1x512xi32, #tpu.memory_space<vmem>>
    %dma_wait3A_975 = tpu.memref_squeeze %dma_wait3A_974 : memref<1x512xi32, #tpu.memory_space<vmem>> -> memref<512xi32, #tpu.memory_space<vmem>>
    %dma_wait3A_976 = arith.constant 0 : i32
    %dma_wait3A_977 = arith.constant 0 : i32
    %dma_wait3A_978 = tpu.memref_slice %arg3[%dma_wait3A_976, %dma_wait3A_977] : memref<100001x64xf32, #tpu.memory_space<hbm>> -> memref<100001x64xf32, #tpu.memory_space<hbm>>
    tpu.wait_indirect_dma semaphore(%arg7 : memref<!tpu.dma_semaphore, #tpu.memory_space<semaphore_mem>>) src(%dma_wait3A_978 : memref<100001x64xf32, #tpu.memory_space<hbm>>) dst(%dma_wait3A_972 : memref<512x64xf32, #tpu.memory_space<vmem>>)
    %dma_wait3A_979 = arith.constant 48 : i32
    %dma_wait3A_980 = arith.constant 0 : i32
    %dma_wait3A_981 = arith.constant 0 : i32
    %dma_wait3A_982 = tpu.memref_slice %arg6[%dma_wait3A_980, %dma_wait3A_981] : memref<512x64xf32, #tpu.memory_space<vmem>> -> memref<512x64xf32, #tpu.memory_space<vmem>>
    %dma_wait3A_983 = arith.constant 0 : i32
    %dma_wait3A_984 = tpu.memref_slice %arg5[%dma_wait3A_979, %dma_wait3A_983] : memref<50x512xi32, #tpu.memory_space<vmem>> -> memref<1x512xi32, #tpu.memory_space<vmem>>
    %dma_wait3A_985 = tpu.memref_squeeze %dma_wait3A_984 : memref<1x512xi32, #tpu.memory_space<vmem>> -> memref<512xi32, #tpu.memory_space<vmem>>
    %dma_wait3A_986 = arith.constant 0 : i32
    %dma_wait3A_987 = arith.constant 0 : i32
    %dma_wait3A_988 = tpu.memref_slice %arg3[%dma_wait3A_986, %dma_wait3A_987] : memref<100001x64xf32, #tpu.memory_space<hbm>> -> memref<100001x64xf32, #tpu.memory_space<hbm>>
    tpu.wait_indirect_dma semaphore(%arg7 : memref<!tpu.dma_semaphore, #tpu.memory_space<semaphore_mem>>) src(%dma_wait3A_988 : memref<100001x64xf32, #tpu.memory_space<hbm>>) dst(%dma_wait3A_982 : memref<512x64xf32, #tpu.memory_space<vmem>>)
    %dma_wait3A_989 = arith.constant 49 : i32
    %dma_wait3A_990 = arith.constant 0 : i32
    %dma_wait3A_991 = arith.constant 0 : i32
    %dma_wait3A_992 = tpu.memref_slice %arg6[%dma_wait3A_990, %dma_wait3A_991] : memref<512x64xf32, #tpu.memory_space<vmem>> -> memref<512x64xf32, #tpu.memory_space<vmem>>
    %dma_wait3A_993 = arith.constant 0 : i32
    %dma_wait3A_994 = tpu.memref_slice %arg5[%dma_wait3A_989, %dma_wait3A_993] : memref<50x512xi32, #tpu.memory_space<vmem>> -> memref<1x512xi32, #tpu.memory_space<vmem>>
    %dma_wait3A_995 = tpu.memref_squeeze %dma_wait3A_994 : memref<1x512xi32, #tpu.memory_space<vmem>> -> memref<512xi32, #tpu.memory_space<vmem>>
    %dma_wait3A_996 = arith.constant 0 : i32
    %dma_wait3A_997 = arith.constant 0 : i32
    %dma_wait3A_998 = tpu.memref_slice %arg3[%dma_wait3A_996, %dma_wait3A_997] : memref<100001x64xf32, #tpu.memory_space<hbm>> -> memref<100001x64xf32, #tpu.memory_space<hbm>>
    tpu.wait_indirect_dma semaphore(%arg7 : memref<!tpu.dma_semaphore, #tpu.memory_space<semaphore_mem>>) src(%dma_wait3A_998 : memref<100001x64xf32, #tpu.memory_space<hbm>>) dst(%dma_wait3A_992 : memref<512x64xf32, #tpu.memory_space<vmem>>)
    %mul3A_999 = arith.constant 512 : i32
    %mul3A_1000 = arith.muli %add3A, %mul3A_999 : i32
    "tpu.region"() ({
      %run_scoped3A = tpu.sem_alloc : memref<!tpu.dma_semaphore, #tpu.memory_space<semaphore_mem>>
      %dma_start3A_1001 = arith.constant 0 : i32
      %dma_start3A_1002 = tpu.memref_slice %arg4[%mul3A_1000, %dma_start3A_1001] : memref<16384x64xf32, #tpu.memory_space<hbm>> -> memref<512x64xf32, #tpu.memory_space<hbm>>
      %dma_start3A_1003 = arith.constant 0 : i32
      %dma_start3A_1004 = tpu.memref_slice %arg4[%mul3A_1000, %dma_start3A_1003] : memref<16384x64xf32, #tpu.memory_space<hbm>> -> memref<512x64xf32, #tpu.memory_space<hbm>>
      tpu.enqueue_dma source(%arg6 : memref<512x64xf32, #tpu.memory_space<vmem>>) target(%dma_start3A_1004 : memref<512x64xf32, #tpu.memory_space<hbm>>) target_semaphore(%run_scoped3A : memref<!tpu.dma_semaphore, #tpu.memory_space<semaphore_mem>>)
      %dma_wait3A_1005 = arith.constant 0 : i32
      %dma_wait3A_1006 = tpu.memref_slice %arg4[%mul3A_1000, %dma_wait3A_1005] : memref<16384x64xf32, #tpu.memory_space<hbm>> -> memref<512x64xf32, #tpu.memory_space<hbm>>
      %dma_wait3A_1007 = arith.constant 0 : i32
      %dma_wait3A_1008 = tpu.memref_slice %arg4[%mul3A_1000, %dma_wait3A_1007] : memref<16384x64xf32, #tpu.memory_space<hbm>> -> memref<512x64xf32, #tpu.memory_space<hbm>>
      tpu.wait_dma2 semaphore(%run_scoped3A : memref<!tpu.dma_semaphore, #tpu.memory_space<semaphore_mem>>) src(%arg6 : memref<512x64xf32, #tpu.memory_space<vmem>>) dst(%dma_wait3A_1008 : memref<512x64xf32, #tpu.memory_space<hbm>>)
      tpu.yield
    }) : () -> ()
    return
  }
}

</mosaic_0001>

<sc_bundles>
// kernel: kernel.3.cloned.1.call-start
scs
__scs_entry_jumppad:
0x0: {  	(pc) =	sbr.rel $0x88, $3  }
0x1: {  	(tag) =	ssettag $0x0;
	lr =	simm.s32 $0x1  }
0x2: {  	[smem:$0x3F9F] =	sst lr;
	_ =	strace $0xD0000000  }
0x3: {  	_ = 	snop  }
0x4: {  	_ = 	snop  }
0x5: {  	_ = 	snop  }
0x6: {  	_ = 	snop  }
0x7: {  	_ = 	snop  }
__scs_overlays_trampoline_lowered:
0x8: {  	[smem:$0x3FAE] =	sst s0  }
0x9: {  	[smem:$0x3FAF] =	sst s1  }
0xa: {  	[smem:$0x3FB0] =	sst s2  }
0xb: {  	[smem:$0x3FB1] =	sst s3  }
0xc: {  	[smem:$0x3FB2] =	sst s4  }
0xd: {  	[smem:$0x3FB3] =	sst s5  }
0xe: {  	[smem:$0x3FB4] =	sst s6  }
0xf: {  	[smem:$0x3FB5] =	sst s7  }
0x10: {  	[smem:$0x3FB6] =	sst s8  }
0x11: {  	[smem:$0x3FB7] =	sst s9;
	s0 =	simm.s32 @!p0 $0x0  }
0x12: {  	s1 =	sld [smem:$0x3F9D];
	s0 =	simm.s32 @p0 $0x1  }
0x13: {  	[smem:$0x3FB8] =	sst s0;
	s0 =	simm.s32 @!p1 $0x0  }
0x14: {  	s2 =	sld [smem:$0x3F9C];
	s0 =	simm.s32 @p1 $0x1  }
0x15: {  	[smem:$0x3FB9] =	sst s0;
	s0 =	simm.s32 @!p2 $0x0  }
0x16: {  	s3 =	sld [smem:$0x3FDB];
	s0 =	simm.s32 @p2 $0x1  }
0x17: {  	s4 =	simm.s32 $0x1BF5;
	[smem:$0x3FBB] =	sst s0  }
0x18: {  	s0 =	sld [smem:$0x3F9E];
	_ =	swait.ge [sflag:s4], $0x0  }
0x19: {  	s7 =	sld [smem:$0x3F9F]  }
0x1a: {  	s8 =	sadd.s32 $0xFFFFE003, lr  }
0x1b: {  	s9 =	sadd.s32 $0xFFFFFEF7, lr;
	s5 =	simm.s32 $0xFFFFFFFF;
	p2 =	slt.u32 s8, $0xFFFFF086  }
0x1c: {  	p1 =	slt.u32 s9, $0xF7A;
	s5 =	simm.s32 @!p2 $0x0  }
0x1d: {  	s5 =	simm.s32 @p1 $0x1;
	p0 =	seq.s32 s7, s2  }
0x1e: {  	s7 =	smul.u32 @!p0 $0xF7A, s2;
	p2 =	seq.s32 @!p0 s5, $0x0  }
0x1f: {  	s9 =	smul.u32 $0xF7A, s1;
	s8 =	simm.s32 @!p0 $0x1BF5;
	p2 =	por !p2, p0  }
0x20: {  	[sflag:s8] =	ssyncset.s32 @!p0 $0xFFFFF086;
	s6 =	sadd.s32 @!p0 s3, s7;
	s7 =	simm.s32 @!p0 $0x108  }
0x21: {  	s3 =	sadd.s32 s3, s9;
	s6 =	sadd.s32 @!p0 $0x88, s6;
	s7 =	simm.s32 @p2 $0x1082  }
0x22: {  	[simem:s7], [sflag:s8] =	dma.local @!p0 [hbm:s6], $0xF7A  }
0x23: {  	s9 =	sor.u32 $0xD0000000, s2;
	s6 =	simm.s32 $0x108;
	_ =	swait.ge @!p0 [sflag:s8], $0x0  }
0x24: {  	s3 =	sadd.s32 $0x88, s3;
	s6 =	simm.s32 @!p1 $0x1082;
	[sflag:s4] =	ssyncset.s32 $0xFFFFF086  }
0x25: {  	[simem:s6], [sflag:s4] =	dma.local [hbm:s3], $0xF7A  }
0x26: {  	[smem:$0x3F9F] =	sst s1;
	(tag) =	ssettag s2;
	_ =	strace s9  }
0x27: {  	s1 =	sld [smem:$0x3FAF]  }
0x28: {  	s2 =	sld [smem:$0x3FB0]  }
0x29: {  	s4 =	sld [smem:$0x3FB2]  }
0x2a: {  	p0 =	seq.s32 s5, $0x0;
	s5 =	sld [smem:$0x3FB3]  }
0x2b: {  	s6 =	sld [smem:$0x3FB4]  }
0x2c: {  	s7 =	sld [smem:$0x3FB5]  }
0x2d: {  	s3 =	simm.s32 $0x108;
	s8 =	sld [smem:$0x3FB6]  }
0x2e: {  	s3 =	simm.s32 @!p0 $0x1082;
	s9 =	sld [smem:$0x3FB7]  }
0x2f: {  	lr =	sadd.s32 s0, s3;
	s0 =	sld [smem:$0x3FAE]  }
0x30: {  	s3 =	sld [smem:$0x3FB1]  }
0x31: {  	[smem:$0x3FBA] =	sst s10  }
0x32: {  	s10 =	sld [smem:$0x3FB8];
	_ =	sdelay $0x3  }
0x33: {  	p0 =	seq.s32 s10, $0x1;
	s10 =	sld [smem:$0x3FBA];
	_ =	sdelay $0x3  }
0x34: {  	[smem:$0x3FBA] =	sst s10  }
0x35: {  	s10 =	sld [smem:$0x3FB9];
	_ =	sdelay $0x3  }
0x36: {  	p1 =	seq.s32 s10, $0x1;
	s10 =	sld [smem:$0x3FBA];
	_ =	sdelay $0x3  }
0x37: {  	[smem:$0x3FBA] =	sst s10  }
0x38: {  	s10 =	sld [smem:$0x3FBB]  }
0x39: {  	_ = 	snop;
	(pc) =	sbr.ind lr, $3  }
0x3a: {  	_ = 	snop  }
0x3b: {  	_ = 	snop  }
0x3c: {  	p2 =	seq.s32 s10, $0x1;
	s10 =	sld [smem:$0x3FBA]  }
0x3d: {  	_ =	shalt  }
0x3e: {  	_ =	shalt  }
0x3f: {  	_ =	shalt  }
0x40: {  	_ =	shalt  }
0x41: {  	_ =	shalt  }
0x42: {  	_ =	shalt  }
0x43: {  	_ =	shalt  }
0x44: {  	_ =	shalt  }
0x45: {  	_ =	shalt  }
0x46: {  	_ =	shalt  }
0x47: {  	_ =	shalt  }
0x48: {  	_ =	shalt  }
0x49: {  	_ =	shalt  }
0x4a: {  	_ =	shalt  }
0x4b: {  	_ =	shalt  }
0x4c: {  	_ =	shalt  }
0x4d: {  	_ =	shalt  }
0x4e: {  	_ =	shalt  }
0x4f: {  	_ =	shalt  }
0x50: {  	_ =	shalt  }
0x51: {  	_ =	shalt  }
0x52: {  	_ =	shalt  }
0x53: {  	_ =	shalt  }
0x54: {  	_ =	shalt  }
0x55: {  	_ =	shalt  }
0x56: {  	_ =	shalt  }
0x57: {  	_ =	shalt  }
0x58: {  	_ =	shalt  }
0x59: {  	_ =	shalt  }
0x5a: {  	_ =	shalt  }
0x5b: {  	_ =	shalt  }
0x5c: {  	_ =	shalt  }
0x5d: {  	_ =	shalt  }
0x5e: {  	_ =	shalt  }
0x5f: {  	_ =	shalt  }
0x60: {  	_ =	shalt  }
0x61: {  	_ =	shalt  }
0x62: {  	_ =	shalt  }
0x63: {  	_ =	shalt  }
0x64: {  	_ =	shalt  }
0x65: {  	_ =	shalt  }
0x66: {  	_ =	shalt  }
0x67: {  	_ =	shalt  }
0x68: {  	_ =	shalt  }
0x69: {  	_ =	shalt  }
0x6a: {  	_ =	shalt  }
0x6b: {  	_ =	shalt  }
0x6c: {  	_ =	shalt  }
0x6d: {  	_ =	shalt  }
0x6e: {  	_ =	shalt  }
0x6f: {  	_ =	shalt  }
0x70: {  	_ =	shalt  }
0x71: {  	_ =	shalt  }
0x72: {  	_ =	shalt  }
0x73: {  	_ =	shalt  }
0x74: {  	_ =	shalt  }
0x75: {  	_ =	shalt  }
0x76: {  	_ =	shalt  }
0x77: {  	_ =	shalt  }
0x78: {  	_ =	shalt  }
0x79: {  	_ =	shalt  }
0x7a: {  	_ =	shalt  }
0x7b: {  	_ =	shalt  }
0x7c: {  	_ =	shalt  }
0x7d: {  	_ =	shalt  }
0x7e: {  	_ =	shalt  }
0x7f: {  	_ =	shalt  }
0x80: {  	_ =	shalt  }
0x81: {  	_ =	shalt  }
0x82: {  	_ =	shalt  }
0x83: {  	_ =	shalt  }
0x84: {  	_ =	shalt  }
0x85: {  	_ =	shalt  }
0x86: {  	_ =	shalt  }
0x87: {  	_ =	shalt  }
.Lfunc_end0:
.L_simem_size_0:
called_computation_lowered:
.L_overlay_start_0:
0x88: {  	s2 =	sld [smem:$0x3FD9]  }
0x89: {  	s3 =	sld [smem:$0x3FFE];
	_ =	sdelay $0x1  }
0x8a: {  	s1 =	srdreg.scid  }
0x8b: {  	s0 =	sand.u32 $0x1, s1  }
0x8c: {  	s17 =	sshll.u32 s0, $0xA;
	s2 =	sadd.s32 s3, s2  }
0x8d: {  	s2 =	sadd.s32 s2, s17  }
0x8e: {  	[smem:$0x3FC6] =	sst s2  }
0x8f: {  	_ = 	snop  }
0x90: {  	s2 =	sld [smem:$0x3FD0];
	(tm) =	ssettm $0x1  }
0x91: {  	s18 =	sld [smem:$0x3FFB];
	_ =	sdelay $0x3  }
0x92: {  	_ =	strace s18  }
0x93: {  	s3 =	sld [smem:$0x3FFC];
	_ =	sdelay $0x3  }
0x94: {  	_ =	strace s3  }
0x95: {  	s3 =	sld [smem:$0x3FFD];
	_ =	sdelay $0x3  }
0x96: {  	_ =	strace s3  }
0x97: {  	_ =	strace $0x8FFFFFFF  }
0x98: {  	s19 =	sld [smem:$0x3FDB];
	_ =	sdelay $0x1  }
0x99: {  	s4 =	simm.s32 $_scs_section_size  }
0x9a: {  	s5 =	simm.s32 $_size__tile_overlayer_lowered;
	s6 =	simm.s32 $_tile_overlayer_lowered  }
0x9b: {  	s22 =	simm.s32 $0x1BFF;
	s21 =	sshll.u32 s6, $0x1;
	s3 =	sadd.s32 s4, s19  }
0x9c: {  	s7 =	simm.s32 $0x0;
	s20 =	sshll.u32 s5, $0x1;
	s5 =	sadd.s32 s21, s3  }
0x9d: {  	[timem:s7], [sflag:s22] =	dma.local [hbm:s5], s20  }
0x9e: {  	_ =	swait.ge [sflag:s22], s20  }
0x9f: {  	s4 =	ssub.s32 $0x0, s20;
	[sflag:s22] =	ssyncset.done $0x0  }
0xa0: {  	[sflag:s22] =	ssyncadd.s32 s4;
	_ =	sdelay $0x1  }
0xa1: {  	s23 =	simm.s32 $0x1B8B  }
0xa2: {  	_ =	swait.ge [sflag:s23], $0x1  }
0xa3: {  	[sflag:s23] =	ssyncset.done $0x0  }
0xa4: {  	s25 =	simm.s32 $0x1B8E;
	s24 =	sld [smem:$0x3FFE];
	[sflag:s23] =	ssyncadd.s32 $0xFFFFFFFF  }
0xa5: {  	s26 =	simm.s32 $execute0_lowered;
	[smem:$0x3FD2] =	sst s25  }
0xa6: {  	s5 =	sshll.u32 s26, $0x1;
	_ =	strace $0x80000046;
	[dreg:$0x1] =	wrdreg $0xFFFFFFFF  }
0xa7: {  	s28 =	simm.s32 $_size_execute0_lowered;
	s3 =	sadd.s32 s3, s5;
	[dreg:$0x0] =	wrdreg $0x0  }
0xa8: {  	s5 =	sshll.u32 s28, $0x1;
	[dreg:$0x2] =	wrdreg s3  }
0xa9: {  	[dreg:$0x3] =	wrdreg s5  }
0xaa: {  	[dreg:$0x4] =	wrdreg $0xC0  }
0xab: {  	_ =	task [dreg:s7], $0x5FFFF  }
0xac: {  	[dreg:$0x1] =	wrdreg $0xFFFFFFFF  }
0xad: {  	[dreg:$0x0] =	wrdreg $0x60  }
0xae: {  	[dreg:$0x2] =	wrdreg s24  }
0xaf: {  	[dreg:$0x3] =	wrdreg s2  }
0xb0: {  	[dreg:$0x4] =	wrdreg $0x9  }
0xb1: {  	_ =	task.clear_ibuf [dreg:s7], $0x5FFFF;
	_ =	strace $0x90000046  }
0xb2: {  	s29 =	simm.s32 $0x9;
	_ =	strace $0x80000048  }
0xb3: {  	_ =	swait.ge [sflag:s29], $0x1  }
0xb4: {  	[sflag:s29] =	ssyncadd.s32 $0xFFFFFFFF  }
0xb5: {  	_ =	strace $0x90000048  }
0xb6: {  	_ =	sfence  }
0xb7: {  	s30 =	sld [smem:$0x0];
	_ =	sdelay $0x2  }
0xb8: {  	s31 =	sshll.u32 s1, $0xD;
	s1 =	sshrl.u32 s1, $0x2  }
0xb9: {  	s3 =	sand.u32 $0x4000, s31;
	s1 =	sadd.s32 s1, s30  }
0xba: {  	s0 =	sor.u32 s3, s0;
	s1 =	sshll.u32 s1, $0x11  }
0xbb: {  	s0 =	sor.u32 s1, s0  }
0xbc: {  	s0 =	sadd.s32 $0x8F2B, s0  }
0xbd: {  	[sflag:s0] =	ssyncadd.remote.s32 $0x1  }
0xbe: {  	_ =	sfence.sel $0xFFFF  }
0xbf: {  	[dreg:$0x0] =	wrdreg $0xFFFFFFFF;
	(pc) =	sbr.abs _section_cstart, $3  }
0xc0: {  	[dreg:$0x1] =	wrdreg $0xFFFFFFFF  }
0xc1: {  	_ =	task.clear_ibuf [dreg:s7], $0x2FFFF;
	_ =	strace $0x9FFFFFFF  }
0xc2: {  	(tm) =	ssettm $0x7FFFFFFF  }
0xc3: {  	_ =	shalt  }
tec
execute0_lowered:
.L_overlay_start_1:
0x0: {  	(tag) =	ssettag $0x1  }
0x1: {  	s3 =	rddreg [dreg:$0x0]  }
0x2: {  	s4 =	rddreg [dreg:$0x1];
	s2 =	simm.s32 $0x0  }
0x3: {  	s20 =	simm.s32 $0x400;
	[smem:$0x7FF] =	sst s2  }
0x4: {  	s21 =	simm.s32 $0x600;
	_ =	strace $0x80000047;
	[dreg:$0x5] =	wrdreg s20  }
0x5: {  	s22 =	simm.s32 $0x800;
	[dreg:$0x6] =	wrdreg s21  }
0x6: {  	s23 =	simm.s32 $0xA00;
	[dreg:$0x7] =	wrdreg s22  }
0x7: {  	s24 =	simm.s32 $0xC00;
	[dreg:$0x8] =	wrdreg s23  }
0x8: {  	s25 =	simm.s32 $0xE00;
	[dreg:$0x9] =	wrdreg s24  }
0x9: {  	s26 =	simm.s32 $0x1000;
	[dreg:$0xa] =	wrdreg s25  }
0xa: {  	s6 =	simm.s32 $0x1600;
	[dreg:$0xb] =	wrdreg s26  }
0xb: {  	s7 =	simm.s32 $0x1800;
	[dreg:$0xe] =	wrdreg s6  }
0xc: {  	s0 =	srdreg.scid;
	s8 =	simm.s32 $0x1A00;
	[dreg:$0xf] =	wrdreg s7  }
0xd: {  	s10 =	stileid.u32;
	s9 =	simm.s32 $0x1C00;
	[dreg:$0x10] =	wrdreg s8  }
0xe: {  	s11 =	simm.s32 $0x1E00;
	s12 =	simm.s32 $0x2000;
	[dreg:$0x11] =	wrdreg s9  }
0xf: {  	s13 =	simm.s32 $0x2200;
	s14 =	simm.s32 $0x2400;
	[dreg:$0x12] =	wrdreg s11  }
0x10: {  	s15 =	simm.s32 $0x2600;
	s16 =	simm.s32 $0x2800;
	[dreg:$0x13] =	wrdreg s12  }
0x11: {  	s17 =	simm.s32 $0x2A00;
	s19 =	simm.s32 $0x2C00;
	[dreg:$0x14] =	wrdreg s13  }
0x12: {  	s31 =	simm.s32 $0x4;
	s28 =	simm.s32 $0x4000;
	[dreg:$0x15] =	wrdreg s14  }
0x13: {  	s29 =	simm.s32 $0x4200;
	s30 =	simm.s32 $0x4400;
	[dreg:$0x16] =	wrdreg s15  }
0x14: {  	s0 =	sand.u32 $0x1, s0;
	s1 =	sshll.u32 s10, $0x1;
	[dreg:$0x17] =	wrdreg s16  }
0x15: {  	p0 =	por $0x0, $0x0;
	s1 =	sor.u32 s0, s1;
	[dreg:$0x18] =	wrdreg s17  }
0x16: {  	s7 =	sadd.s32 $0x187200, s3;
	s0 =	ssub.s32 $0x2, s0;
	[dreg:$0x19] =	wrdreg s19  }
0x17: {  	s20 =	simm.s32 $0x2E00;
	s21 =	simm.s32 $0x3000;
	s22 =	simm.s32 $0x3200  }
0x18: {  	s9 =	simm.s32 $0x200;
	s23 =	simm.s32 $0x3400;
	s24 =	simm.s32 $0x3600  }
0x19: {  	s25 =	simm.s32 $0x3800;
	s26 =	simm.s32 $0x3A00;
	s8 =	simm.s32 $0x2  }
0x1a: {  	s6 =	simm.s32 $0x3;
	s19 =	simm.s32 $0x4A00;
	[dreg:$0x1a] =	wrdreg s20  }
0x1b: {  	s11 =	simm.s32 $0x5600;
	s12 =	simm.s32 $0x5800;
	[dreg:$0x1b] =	wrdreg s21  }
0x1c: {  	s13 =	simm.s32 $0x5A00;
	s14 =	simm.s32 $0x5C00;
	[dreg:$0x1c] =	wrdreg s22  }
0x1d: {  	s15 =	simm.s32 $0x5E00;
	s16 =	simm.s32 $0x6000;
	[dreg:$0x1d] =	wrdreg s23  }
0x1e: {  	s17 =	simm.s32 $0x6200;
	s5 =	smul.u32 $0xC80, s1;
	[dreg:$0x1e] =	wrdreg s24  }
0x1f: {  	s1 =	sshll.u32 s1, $0xC;
	s18 =	sshrl.u32 s0, $0x1;
	[dreg:$0x1f] =	wrdreg s25  }
0x20: {  	[smem:$0x7FD] =	sst s26;
	s25 =	simm.s32 $0x3C00;
	s26 =	simm.s32 $0x3E00  }
0x21: {  	s20 =	simm.s32 $0x4C00;
	s21 =	simm.s32 $0x4E00;
	s0 =	ssub.s32 s0, s18  }
0x22: {  	s22 =	simm.s32 $0x5000;
	s23 =	simm.s32 $0x5200;
	s0 =	smax.u32 s0, $0x1  }
0x23: {  	s1 =	sadd.s32 s4, s1;
	s4 =	simm.s32 $0x1200;
	p1 =	sne.s32 s0, $0x1  }
.Ltmp0:
0x24: {  	s5 =	sadd.s32 s5, s3;
	[dreg:$0x4] =	wrdreg s1;
	(pc) =	sbr.rel @!p1 .LBB2_1-.Ltmp0, $4  }
0x25: {  	s24 =	simm.s32 $0x5400;
	[dreg:$0xc] =	wrdreg s4;
	s5 =	sadd.s32 $0x600, s5  }
0x26: {  	s18 =	simm.s32 $0x4600;
	[dreg:$0x3] =	wrdreg s5;
	s5 =	simm.s32 $0x1400  }
0x27: {  	s3 =	simm.s32 $0x5;
	s4 =	simm.s32 $0x6400;
	[dreg:$0xd] =	wrdreg s5  }
0x28: {  	s1 =	sadd.s32 $0xFFFFFFFF, s0;
	s5 =	simm.s32 $0x1;
	s0 =	rddreg [dreg:$0x3]  }
0x29: {  	[tilespmem:s2], [sflag:$0x5] =	stream.linear.gather [hbm4b:s0+s2], $0x6400, $0x38;
	[tilespmem:$0xE400] =	vst v63  }
0x2a: {  	_ =	swait.ge [sflag:s3], $0x6400  }
0x2b: {  	[sflag:s3] =	ssyncset.done $0x0  }
0x2c: {  	[sflag:s3] =	ssyncadd.s32 $0xFFFF9C00  }
0x2d: {  	[tilespmem:s4], [sflag:$0x4] =	stream.indirect.gather [hbm4b:s7+s9], $0x40, s2, s9, $0xb8;
	[tilespmem:$0xE400] =	vst v63  }
0x2e: {  	_ =	swait.ge [sflag:s31], $0x8000  }
0x2f: {  	[sflag:s31] =	ssyncset.done $0x0  }
0x30: {  	[sflag:s31] =	ssyncadd.s32 $0xFFFF8000  }
0x31: {  	[tilespmem:s4], [sflag:$0x1] =	stream.indirect.gather.add.f32 [hbm:s7], $0x40, s9, s9, $0xb8;
	[tilespmem:$0xE400] =	vst v63  }
0x32: {  	s0 =	rddreg [dreg:$0x5]  }
0x33: {  	[tilespmem:s4], [sflag:$0x1] =	stream.indirect.gather.add.f32 [hbm:s7], $0x40, s0, s9, $0xb8;
	[tilespmem:$0xE400] =	vst v63  }
0x34: {  	s10 =	smov.u32 s1;
	s1 =	rddreg [dreg:$0x6]  }
0x35: {  	[tilespmem:s4], [sflag:$0x1] =	stream.indirect.gather.add.f32 [hbm:s7], $0x40, s1, s9, $0xb8;
	[tilespmem:$0xE400] =	vst v63  }
0x36: {  	s0 =	rddreg [dreg:$0x7]  }
0x37: {  	[tilespmem:s4], [sflag:$0x1] =	stream.indirect.gather.add.f32 [hbm:s7], $0x40, s0, s9, $0xb8;
	[tilespmem:$0xE400] =	vst v63  }
0x38: {  	s1 =	rddreg [dreg:$0x8]  }
0x39: {  	[tilespmem:s4], [sflag:$0x1] =	stream.indirect.gather.add.f32 [hbm:s7], $0x40, s1, s9, $0xb8;
	[tilespmem:$0xE400] =	vst v63  }
0x3a: {  	s0 =	rddreg [dreg:$0x9]  }
0x3b: {  	[tilespmem:s4], [sflag:$0x1] =	stream.indirect.gather.add.f32 [hbm:s7], $0x40, s0, s9, $0xb8;
	[tilespmem:$0xE400] =	vst v63  }
0x3c: {  	s1 =	rddreg [dreg:$0xa]  }
0x3d: {  	[tilespmem:s4], [sflag:$0x1] =	stream.indirect.gather.add.f32 [hbm:s7], $0x40, s1, s9, $0xb8;
	[tilespmem:$0xE400] =	vst v63  }
0x3e: {  	s0 =	rddreg [dreg:$0xb]  }
0x3f: {  	[tilespmem:s4], [sflag:$0x2] =	stream.indirect.gather.add.f32 [hbm:s7], $0x40, s0, s9, $0xb8;
	[tilespmem:$0xE400] =	vst v63  }
0x40: {  	s1 =	rddreg [dreg:$0xc]  }
0x41: {  	[tilespmem:s4], [sflag:$0x2] =	stream.indirect.gather.add.f32 [hbm:s7], $0x40, s1, s9, $0xb8;
	[tilespmem:$0xE400] =	vst v63  }
0x42: {  	s0 =	rddreg [dreg:$0xd]  }
0x43: {  	[tilespmem:s4], [sflag:$0x2] =	stream.indirect.gather.add.f32 [hbm:s7], $0x40, s0, s9, $0xb8;
	[tilespmem:$0xE400] =	vst v63  }
0x44: {  	s1 =	rddreg [dreg:$0xe]  }
0x45: {  	[tilespmem:s4], [sflag:$0x2] =	stream.indirect.gather.add.f32 [hbm:s7], $0x40, s1, s9, $0xb8;
	[tilespmem:$0xE400] =	vst v63  }
0x46: {  	s0 =	rddreg [dreg:$0xf]  }
0x47: {  	[tilespmem:s4], [sflag:$0x2] =	stream.indirect.gather.add.f32 [hbm:s7], $0x40, s0, s9, $0xb8;
	[tilespmem:$0xE400] =	vst v63  }
0x48: {  	s1 =	rddreg [dreg:$0x10]  }
0x49: {  	[tilespmem:s4], [sflag:$0x2] =	stream.indirect.gather.add.f32 [hbm:s7], $0x40, s1, s9, $0xb8;
	[tilespmem:$0xE400] =	vst v63  }
0x4a: {  	s0 =	rddreg [dreg:$0x11]  }
0x4b: {  	[tilespmem:s4], [sflag:$0x2] =	stream.indirect.gather.add.f32 [hbm:s7], $0x40, s0, s9, $0xb8;
	[tilespmem:$0xE400] =	vst v63  }
0x4c: {  	s1 =	rddreg [dreg:$0x12]  }
0x4d: {  	[tilespmem:s4], [sflag:$0x3] =	stream.indirect.gather.add.f32 [hbm:s7], $0x40, s1, s9, $0xb8;
	[tilespmem:$0xE400] =	vst v63  }
0x4e: {  	s0 =	rddreg [dreg:$0x13]  }
0x4f: {  	[tilespmem:s4], [sflag:$0x3] =	stream.indirect.gather.add.f32 [hbm:s7], $0x40, s0, s9, $0xb8;
	[tilespmem:$0xE400] =	vst v63  }
0x50: {  	s1 =	rddreg [dreg:$0x14]  }
0x51: {  	[tilespmem:s4], [sflag:$0x3] =	stream.indirect.gather.add.f32 [hbm:s7], $0x40, s1, s9, $0xb8;
	[tilespmem:$0xE400] =	vst v63  }
0x52: {  	s0 =	rddreg [dreg:$0x15]  }
0x53: {  	[tilespmem:s4], [sflag:$0x3] =	stream.indirect.gather.add.f32 [hbm:s7], $0x40, s0, s9, $0xb8;
	[tilespmem:$0xE400] =	vst v63  }
0x54: {  	s1 =	rddreg [dreg:$0x16]  }
0x55: {  	[tilespmem:s4], [sflag:$0x3] =	stream.indirect.gather.add.f32 [hbm:s7], $0x40, s1, s9, $0xb8;
	[tilespmem:$0xE400] =	vst v63  }
0x56: {  	s0 =	rddreg [dreg:$0x17]  }
0x57: {  	[tilespmem:s4], [sflag:$0x3] =	stream.indirect.gather.add.f32 [hbm:s7], $0x40, s0, s9, $0xb8;
	[tilespmem:$0xE400] =	vst v63  }
0x58: {  	s1 =	rddreg [dreg:$0x18]  }
0x59: {  	[tilespmem:s4], [sflag:$0x3] =	stream.indirect.gather.add.f32 [hbm:s7], $0x40, s1, s9, $0xb8;
	[tilespmem:$0xE400] =	vst v63  }
0x5a: {  	_ =	swait.ge [sflag:s5], $0x8000  }
0x5b: {  	[sflag:s5] =	ssyncset.done $0x0  }
0x5c: {  	[sflag:s5] =	ssyncadd.s32 $0xFFFF8000  }
0x5d: {  	_ =	swait.ge [sflag:s5], $0x8000  }
0x5e: {  	[sflag:s5] =	ssyncset.done $0x0  }
0x5f: {  	[sflag:s5] =	ssyncadd.s32 $0xFFFF8000  }
0x60: {  	_ =	swait.ge [sflag:s5], $0x8000  }
0x61: {  	[sflag:s5] =	ssyncset.done $0x0  }
0x62: {  	[sflag:s5] =	ssyncadd.s32 $0xFFFF8000  }
0x63: {  	_ =	swait.ge [sflag:s5], $0x8000  }
0x64: {  	[sflag:s5] =	ssyncset.done $0x0  }
0x65: {  	[sflag:s5] =	ssyncadd.s32 $0xFFFF8000  }
0x66: {  	_ =	swait.ge [sflag:s5], $0x8000  }
0x67: {  	[sflag:s5] =	ssyncset.done $0x0  }
0x68: {  	[sflag:s5] =	ssyncadd.s32 $0xFFFF8000  }
0x69: {  	_ =	swait.ge [sflag:s5], $0x8000  }
0x6a: {  	[sflag:s5] =	ssyncset.done $0x0  }
0x6b: {  	[sflag:s5] =	ssyncadd.s32 $0xFFFF8000  }
0x6c: {  	_ =	swait.ge [sflag:s5], $0x8000  }
0x6d: {  	[sflag:s5] =	ssyncset.done $0x0  }
0x6e: {  	s0 =	rddreg [dreg:$0x19];
	[sflag:s5] =	ssyncadd.s32 $0xFFFF8000  }
0x6f: {  	[tilespmem:s4], [sflag:$0x1] =	stream.indirect.gather.add.f32 [hbm:s7], $0x40, s0, s9, $0xb8;
	[tilespmem:$0xE400] =	vst v63  }
0x70: {  	s1 =	rddreg [dreg:$0x1a]  }
0x71: {  	[tilespmem:s4], [sflag:$0x1] =	stream.indirect.gather.add.f32 [hbm:s7], $0x40, s1, s9, $0xb8;
	[tilespmem:$0xE400] =	vst v63  }
0x72: {  	s0 =	rddreg [dreg:$0x1b]  }
0x73: {  	[tilespmem:s4], [sflag:$0x1] =	stream.indirect.gather.add.f32 [hbm:s7], $0x40, s0, s9, $0xb8;
	[tilespmem:$0xE400] =	vst v63  }
0x74: {  	s1 =	rddreg [dreg:$0x1c]  }
0x75: {  	[tilespmem:s4], [sflag:$0x1] =	stream.indirect.gather.add.f32 [hbm:s7], $0x40, s1, s9, $0xb8;
	[tilespmem:$0xE400] =	vst v63  }
0x76: {  	s0 =	rddreg [dreg:$0x1d]  }
0x77: {  	[tilespmem:s4], [sflag:$0x1] =	stream.indirect.gather.add.f32 [hbm:s7], $0x40, s0, s9, $0xb8;
	[tilespmem:$0xE400] =	vst v63  }
0x78: {  	s1 =	rddreg [dreg:$0x1e]  }
0x79: {  	[tilespmem:s4], [sflag:$0x1] =	stream.indirect.gather.add.f32 [hbm:s7], $0x40, s1, s9, $0xb8;
	[tilespmem:$0xE400] =	vst v63  }
0x7a: {  	s0 =	rddreg [dreg:$0x1f]  }
0x7b: {  	[tilespmem:s4], [sflag:$0x1] =	stream.indirect.gather.add.f32 [hbm:s7], $0x40, s0, s9, $0xb8;
	[tilespmem:$0xE400] =	vst v63  }
0x7c: {  	_ =	swait.ge [sflag:s8], $0x8000  }
0x7d: {  	[sflag:s8] =	ssyncset.done $0x0  }
0x7e: {  	[sflag:s8] =	ssyncadd.s32 $0xFFFF8000  }
0x7f: {  	_ =	swait.ge [sflag:s8], $0x8000  }
0x80: {  	[sflag:s8] =	ssyncset.done $0x0  }
0x81: {  	[sflag:s8] =	ssyncadd.s32 $0xFFFF8000  }
0x82: {  	_ =	swait.ge [sflag:s8], $0x8000  }
0x83: {  	[sflag:s8] =	ssyncset.done $0x0  }
0x84: {  	[sflag:s8] =	ssyncadd.s32 $0xFFFF8000  }
0x85: {  	_ =	swait.ge [sflag:s8], $0x8000  }
0x86: {  	[sflag:s8] =	ssyncset.done $0x0  }
0x87: {  	[sflag:s8] =	ssyncadd.s32 $0xFFFF8000  }
0x88: {  	_ =	swait.ge [sflag:s8], $0x8000  }
0x89: {  	[sflag:s8] =	ssyncset.done $0x0  }
0x8a: {  	[sflag:s8] =	ssyncadd.s32 $0xFFFF8000  }
0x8b: {  	_ =	swait.ge [sflag:s8], $0x8000  }
0x8c: {  	[sflag:s8] =	ssyncset.done $0x0  }
0x8d: {  	[sflag:s8] =	ssyncadd.s32 $0xFFFF8000  }
0x8e: {  	_ =	swait.ge [sflag:s8], $0x8000  }
0x8f: {  	s1 =	sld [smem:$0x7FD]  }
0x90: {  	[sflag:s8] =	ssyncset.done $0x0  }
0x91: {  	[sflag:s8] =	ssyncadd.s32 $0xFFFF8000  }
0x92: {  	[tilespmem:s4], [sflag:$0x2] =	stream.indirect.gather.add.f32 [hbm:s7], $0x40, s1, s9, $0xb8;
	[tilespmem:$0xE400] =	vst v63  }
0x93: {  	_ = 	snop  }
0x94: {  	[tilespmem:s4], [sflag:$0x2] =	stream.indirect.gather.add.f32 [hbm:s7], $0x40, s25, s9, $0xb8;
	[tilespmem:$0xE400] =	vst v63  }
0x95: {  	_ = 	snop  }
0x96: {  	[tilespmem:s4], [sflag:$0x2] =	stream.indirect.gather.add.f32 [hbm:s7], $0x40, s26, s9, $0xb8;
	[tilespmem:$0xE400] =	vst v63  }
0x97: {  	_ = 	snop  }
0x98: {  	[tilespmem:s4], [sflag:$0x2] =	stream.indirect.gather.add.f32 [hbm:s7], $0x40, s28, s9, $0xb8;
	[tilespmem:$0xE400] =	vst v63  }
0x99: {  	_ = 	snop  }
0x9a: {  	[tilespmem:s4], [sflag:$0x2] =	stream.indirect.gather.add.f32 [hbm:s7], $0x40, s29, s9, $0xb8;
	[tilespmem:$0xE400] =	vst v63  }
0x9b: {  	_ = 	snop  }
0x9c: {  	[tilespmem:s4], [sflag:$0x2] =	stream.indirect.gather.add.f32 [hbm:s7], $0x40, s30, s9, $0xb8;
	[tilespmem:$0xE400] =	vst v63  }
0x9d: {  	_ = 	snop  }
0x9e: {  	[tilespmem:s4], [sflag:$0x2] =	stream.indirect.gather.add.f32 [hbm:s7], $0x40, s18, s9, $0xb8;
	[tilespmem:$0xE400] =	vst v63  }
0x9f: {  	_ =	swait.ge [sflag:s6], $0x8000  }
0xa0: {  	[sflag:s6] =	ssyncset.done $0x0  }
0xa1: {  	[sflag:s6] =	ssyncadd.s32 $0xFFFF8000  }
0xa2: {  	_ =	swait.ge [sflag:s6], $0x8000  }
0xa3: {  	[sflag:s6] =	ssyncset.done $0x0  }
0xa4: {  	[sflag:s6] =	ssyncadd.s32 $0xFFFF8000  }
0xa5: {  	_ =	swait.ge [sflag:s6], $0x8000  }
0xa6: {  	[sflag:s6] =	ssyncset.done $0x0  }
0xa7: {  	[sflag:s6] =	ssyncadd.s32 $0xFFFF8000  }
0xa8: {  	_ =	swait.ge [sflag:s6], $0x8000  }
0xa9: {  	[sflag:s6] =	ssyncset.done $0x0  }
0xaa: {  	[sflag:s6] =	ssyncadd.s32 $0xFFFF8000  }
0xab: {  	_ =	swait.ge [sflag:s6], $0x8000  }
0xac: {  	[sflag:s6] =	ssyncset.done $0x0  }
0xad: {  	[sflag:s6] =	ssyncadd.s32 $0xFFFF8000  }
0xae: {  	_ =	swait.ge [sflag:s6], $0x8000  }
0xaf: {  	[sflag:s6] =	ssyncset.done $0x0  }
0xb0: {  	[sflag:s6] =	ssyncadd.s32 $0xFFFF8000  }
0xb1: {  	_ =	swait.ge [sflag:s6], $0x8000  }
0xb2: {  	[sflag:s6] =	ssyncset.done $0x0  }
0xb3: {  	s1 =	simm.s32 $0x4800;
	[sflag:s6] =	ssyncadd.s32 $0xFFFF8000  }
0xb4: {  	[tilespmem:s4], [sflag:$0x3] =	stream.indirect.gather.add.f32 [hbm:s7], $0x40, s1, s9, $0xb8;
	[tilespmem:$0xE400] =	vst v63  }
0xb5: {  	_ = 	snop  }
0xb6: {  	[tilespmem:s4], [sflag:$0x3] =	stream.indirect.gather.add.f32 [hbm:s7], $0x40, s19, s9, $0xb8;
	[tilespmem:$0xE400] =	vst v63  }
0xb7: {  	_ = 	snop  }
0xb8: {  	[tilespmem:s4], [sflag:$0x3] =	stream.indirect.gather.add.f32 [hbm:s7], $0x40, s20, s9, $0xb8;
	[tilespmem:$0xE400] =	vst v63  }
0xb9: {  	_ = 	snop  }
0xba: {  	[tilespmem:s4], [sflag:$0x3] =	stream.indirect.gather.add.f32 [hbm:s7], $0x40, s21, s9, $0xb8;
	[tilespmem:$0xE400] =	vst v63  }
0xbb: {  	_ = 	snop  }
0xbc: {  	[tilespmem:s4], [sflag:$0x3] =	stream.indirect.gather.add.f32 [hbm:s7], $0x40, s22, s9, $0xb8;
	[tilespmem:$0xE400] =	vst v63  }
0xbd: {  	_ = 	snop  }
0xbe: {  	[tilespmem:s4], [sflag:$0x3] =	stream.indirect.gather.add.f32 [hbm:s7], $0x40, s23, s9, $0xb8;
	[tilespmem:$0xE400] =	vst v63  }
0xbf: {  	_ = 	snop  }
0xc0: {  	[tilespmem:s4], [sflag:$0x3] =	stream.indirect.gather.add.f32 [hbm:s7], $0x40, s24, s9, $0xb8;
	[tilespmem:$0xE400] =	vst v63  }
0xc1: {  	_ =	swait.ge [sflag:s5], $0x8000  }
0xc2: {  	[sflag:s5] =	ssyncset.done $0x0  }
0xc3: {  	[sflag:s5] =	ssyncadd.s32 $0xFFFF8000  }
0xc4: {  	_ =	swait.ge [sflag:s5], $0x8000  }
0xc5: {  	[sflag:s5] =	ssyncset.done $0x0  }
0xc6: {  	[sflag:s5] =	ssyncadd.s32 $0xFFFF8000  }
0xc7: {  	_ =	swait.ge [sflag:s5], $0x8000  }
0xc8: {  	[sflag:s5] =	ssyncset.done $0x0  }
0xc9: {  	[sflag:s5] =	ssyncadd.s32 $0xFFFF8000  }
0xca: {  	_ =	swait.ge [sflag:s5], $0x8000  }
0xcb: {  	[sflag:s5] =	ssyncset.done $0x0  }
0xcc: {  	[sflag:s5] =	ssyncadd.s32 $0xFFFF8000  }
0xcd: {  	_ =	swait.ge [sflag:s5], $0x8000  }
0xce: {  	[sflag:s5] =	ssyncset.done $0x0  }
0xcf: {  	[sflag:s5] =	ssyncadd.s32 $0xFFFF8000  }
0xd0: {  	_ =	swait.ge [sflag:s5], $0x8000  }
0xd1: {  	[sflag:s5] =	ssyncset.done $0x0  }
0xd2: {  	[sflag:s5] =	ssyncadd.s32 $0xFFFF8000  }
0xd3: {  	_ =	swait.ge [sflag:s5], $0x8000  }
0xd4: {  	[sflag:s5] =	ssyncset.done $0x0  }
0xd5: {  	[sflag:s5] =	ssyncadd.s32 $0xFFFF8000  }
0xd6: {  	[tilespmem:s4], [sflag:$0x1] =	stream.indirect.gather.add.f32 [hbm:s7], $0x40, s11, s9, $0xb8;
	[tilespmem:$0xE400] =	vst v63  }
0xd7: {  	_ = 	snop  }
0xd8: {  	[tilespmem:s4], [sflag:$0x1] =	stream.indirect.gather.add.f32 [hbm:s7], $0x40, s12, s9, $0xb8;
	[tilespmem:$0xE400] =	vst v63  }
0xd9: {  	_ = 	snop  }
0xda: {  	[tilespmem:s4], [sflag:$0x1] =	stream.indirect.gather.add.f32 [hbm:s7], $0x40, s13, s9, $0xb8;
	[tilespmem:$0xE400] =	vst v63  }
0xdb: {  	_ = 	snop  }
0xdc: {  	[tilespmem:s4], [sflag:$0x1] =	stream.indirect.gather.add.f32 [hbm:s7], $0x40, s14, s9, $0xb8;
	[tilespmem:$0xE400] =	vst v63  }
0xdd: {  	_ = 	snop  }
0xde: {  	[tilespmem:s4], [sflag:$0x1] =	stream.indirect.gather.add.f32 [hbm:s7], $0x40, s15, s9, $0xb8;
	[tilespmem:$0xE400] =	vst v63  }
0xdf: {  	_ = 	snop  }
0xe0: {  	[tilespmem:s4], [sflag:$0x1] =	stream.indirect.gather.add.f32 [hbm:s7], $0x40, s16, s9, $0xb8;
	[tilespmem:$0xE400] =	vst v63  }
0xe1: {  	_ = 	snop  }
0xe2: {  	[tilespmem:s4], [sflag:$0x1] =	stream.indirect.gather.add.f32 [hbm:s7], $0x40, s17, s9, $0xb8;
	[tilespmem:$0xE400] =	vst v63  }
0xe3: {  	_ =	swait.ge [sflag:s8], $0x8000  }
0xe4: {  	[sflag:s8] =	ssyncset.done $0x0  }
0xe5: {  	[sflag:s8] =	ssyncadd.s32 $0xFFFF8000  }
0xe6: {  	_ =	swait.ge [sflag:s8], $0x8000  }
0xe7: {  	[sflag:s8] =	ssyncset.done $0x0  }
0xe8: {  	[sflag:s8] =	ssyncadd.s32 $0xFFFF8000  }
0xe9: {  	_ =	swait.ge [sflag:s8], $0x8000  }
0xea: {  	[sflag:s8] =	ssyncset.done $0x0  }
0xeb: {  	[sflag:s8] =	ssyncadd.s32 $0xFFFF8000  }
0xec: {  	_ =	swait.ge [sflag:s8], $0x8000  }
0xed: {  	[sflag:s8] =	ssyncset.done $0x0  }
0xee: {  	[sflag:s8] =	ssyncadd.s32 $0xFFFF8000  }
0xef: {  	_ =	swait.ge [sflag:s8], $0x8000  }
0xf0: {  	[sflag:s8] =	ssyncset.done $0x0  }
0xf1: {  	[sflag:s8] =	ssyncadd.s32 $0xFFFF8000  }
0xf2: {  	_ =	swait.ge [sflag:s8], $0x8000  }
0xf3: {  	[sflag:s8] =	ssyncset.done $0x0  }
0xf4: {  	[sflag:s8] =	ssyncadd.s32 $0xFFFF8000  }
0xf5: {  	_ =	swait.ge [sflag:s8], $0x8000  }
0xf6: {  	[sflag:s8] =	ssyncset.done $0x0  }
0xf7: {  	[sflag:s8] =	ssyncadd.s32 $0xFFFF8000  }
0xf8: {  	_ =	swait.ge [sflag:s6], $0x8000  }
0xf9: {  	[sflag:s6] =	ssyncset.done $0x0  }
0xfa: {  	[sflag:s6] =	ssyncadd.s32 $0xFFFF8000  }
0xfb: {  	_ =	swait.ge [sflag:s6], $0x8000  }
0xfc: {  	[sflag:s6] =	ssyncset.done $0x0  }
0xfd: {  	[sflag:s6] =	ssyncadd.s32 $0xFFFF8000  }
0xfe: {  	_ =	swait.ge [sflag:s6], $0x8000  }
0xff: {  	[sflag:s6] =	ssyncset.done $0x0  }
0x100: {  	[sflag:s6] =	ssyncadd.s32 $0xFFFF8000  }
0x101: {  	_ =	swait.ge [sflag:s6], $0x8000  }
0x102: {  	[sflag:s6] =	ssyncset.done $0x0  }
0x103: {  	[sflag:s6] =	ssyncadd.s32 $0xFFFF8000  }
0x104: {  	_ =	swait.ge [sflag:s6], $0x8000  }
0x105: {  	[sflag:s6] =	ssyncset.done $0x0  }
0x106: {  	[sflag:s6] =	ssyncadd.s32 $0xFFFF8000  }
0x107: {  	_ =	swait.ge [sflag:s6], $0x8000  }
0x108: {  	[sflag:s6] =	ssyncset.done $0x0  }
0x109: {  	[sflag:s6] =	ssyncadd.s32 $0xFFFF8000  }
0x10a: {  	_ =	swait.ge [sflag:s6], $0x8000  }
0x10b: {  	[sflag:s6] =	ssyncset.done $0x0  }
0x10c: {  	[sflag:s6] =	ssyncadd.s32 $0xFFFF8000  }
0x10d: {  	_ =	swait.ge [sflag:s5], $0x8000  }
0x10e: {  	[sflag:s5] =	ssyncset.done $0x0  }
0x10f: {  	[sflag:s5] =	ssyncadd.s32 $0xFFFF8000  }
0x110: {  	_ =	swait.ge [sflag:s5], $0x8000  }
0x111: {  	[sflag:s5] =	ssyncset.done $0x0  }
0x112: {  	[sflag:s5] =	ssyncadd.s32 $0xFFFF8000  }
0x113: {  	_ =	swait.ge [sflag:s5], $0x8000  }
0x114: {  	[sflag:s5] =	ssyncset.done $0x0  }
0x115: {  	[sflag:s5] =	ssyncadd.s32 $0xFFFF8000  }
0x116: {  	_ =	swait.ge [sflag:s5], $0x8000  }
0x117: {  	[sflag:s5] =	ssyncset.done $0x0  }
0x118: {  	[sflag:s5] =	ssyncadd.s32 $0xFFFF8000  }
0x119: {  	_ =	swait.ge [sflag:s5], $0x8000  }
0x11a: {  	[sflag:s5] =	ssyncset.done $0x0  }
0x11b: {  	[sflag:s5] =	ssyncadd.s32 $0xFFFF8000  }
0x11c: {  	_ =	swait.ge [sflag:s5], $0x8000  }
0x11d: {  	[sflag:s5] =	ssyncset.done $0x0  }
0x11e: {  	[sflag:s5] =	ssyncadd.s32 $0xFFFF8000  }
0x11f: {  	p1 =	sne.s32 s10, $0x1;
	_ =	swait.ge [sflag:s5], $0x8000  }
.Ltmp1:
0x120: {  	[sflag:s5] =	ssyncset.done $0x0;
	(pc) =	sbr.rel @!p1 .LBB2_3-.Ltmp1, $4  }
0x121: {  	s1 =	rddreg [dreg:$0x4];
	[sflag:s5] =	ssyncadd.s32 $0xFFFF8000  }
0x122: {  	[hbm4b:s1+s2] =	stream.linear.scatter [tilespmem:s4], [sflag:$0x5], $0x8000, $0x38;
	[tilespmem:$0xE400] =	vst v63  }
0x123: {  	p0 =	por $0x1, $0x1;
	_ =	swait.ge [sflag:s3], $0x8000  }
0x124: {  	s1 =	sadd.s32 $0xFFFFFFFF, s10;
	s0 =	rddreg [dreg:$0x3];
	[sflag:s3] =	ssyncset.done $0x0  }
.LBB2_4:
0x125: {  	[sflag:s3] =	ssyncadd.s32 $0xFFFF8000  }
0x126: {  	[tilespmem:s2], [sflag:$0x5] =	stream.linear.gather [hbm4b:s0+s2], $0x6400, $0x38;
	[tilespmem:$0xE400] =	vst v63  }
0x127: {  	_ =	swait.ge [sflag:s3], $0x6400  }
0x128: {  	[sflag:s3] =	ssyncset.done $0x0  }
0x129: {  	[sflag:s3] =	ssyncadd.s32 $0xFFFF9C00  }
0x12a: {  	[tilespmem:s4], [sflag:$0x4] =	stream.indirect.gather [hbm4b:s7+s9], $0x40, s2, s9, $0xb8;
	[tilespmem:$0xE400] =	vst v63  }
0x12b: {  	_ =	swait.ge [sflag:s31], $0x8000  }
0x12c: {  	[sflag:s31] =	ssyncset.done $0x0  }
0x12d: {  	[sflag:s31] =	ssyncadd.s32 $0xFFFF8000  }
0x12e: {  	[tilespmem:s4], [sflag:$0x1] =	stream.indirect.gather.add.f32 [hbm:s7], $0x40, s9, s9, $0xb8;
	[tilespmem:$0xE400] =	vst v63  }
0x12f: {  	s0 =	rddreg [dreg:$0x5]  }
0x130: {  	[tilespmem:s4], [sflag:$0x1] =	stream.indirect.gather.add.f32 [hbm:s7], $0x40, s0, s9, $0xb8;
	[tilespmem:$0xE400] =	vst v63  }
0x131: {  	s10 =	rddreg [dreg:$0x6]  }
0x132: {  	[tilespmem:s4], [sflag:$0x1] =	stream.indirect.gather.add.f32 [hbm:s7], $0x40, s10, s9, $0xb8;
	[tilespmem:$0xE400] =	vst v63  }
0x133: {  	s0 =	rddreg [dreg:$0x7]  }
0x134: {  	[tilespmem:s4], [sflag:$0x1] =	stream.indirect.gather.add.f32 [hbm:s7], $0x40, s0, s9, $0xb8;
	[tilespmem:$0xE400] =	vst v63  }
0x135: {  	s10 =	rddreg [dreg:$0x8]  }
0x136: {  	[tilespmem:s4], [sflag:$0x1] =	stream.indirect.gather.add.f32 [hbm:s7], $0x40, s10, s9, $0xb8;
	[tilespmem:$0xE400] =	vst v63  }
0x137: {  	s0 =	rddreg [dreg:$0x9]  }
0x138: {  	[tilespmem:s4], [sflag:$0x1] =	stream.indirect.gather.add.f32 [hbm:s7], $0x40, s0, s9, $0xb8;
	[tilespmem:$0xE400] =	vst v63  }
0x139: {  	s10 =	rddreg [dreg:$0xa]  }
0x13a: {  	[tilespmem:s4], [sflag:$0x1] =	stream.indirect.gather.add.f32 [hbm:s7], $0x40, s10, s9, $0xb8;
	[tilespmem:$0xE400] =	vst v63  }
0x13b: {  	s0 =	rddreg [dreg:$0xb]  }
0x13c: {  	[tilespmem:s4], [sflag:$0x2] =	stream.indirect.gather.add.f32 [hbm:s7], $0x40, s0, s9, $0xb8;
	[tilespmem:$0xE400] =	vst v63  }
0x13d: {  	s10 =	rddreg [dreg:$0xc]  }
0x13e: {  	[tilespmem:s4], [sflag:$0x2] =	stream.indirect.gather.add.f32 [hbm:s7], $0x40, s10, s9, $0xb8;
	[tilespmem:$0xE400] =	vst v63  }
0x13f: {  	s0 =	rddreg [dreg:$0xd]  }
0x140: {  	[tilespmem:s4], [sflag:$0x2] =	stream.indirect.gather.add.f32 [hbm:s7], $0x40, s0, s9, $0xb8;
	[tilespmem:$0xE400] =	vst v63  }
0x141: {  	s10 =	rddreg [dreg:$0xe]  }
0x142: {  	[tilespmem:s4], [sflag:$0x2] =	stream.indirect.gather.add.f32 [hbm:s7], $0x40, s10, s9, $0xb8;
	[tilespmem:$0xE400] =	vst v63  }
0x143: {  	s0 =	rddreg [dreg:$0xf]  }
0x144: {  	[tilespmem:s4], [sflag:$0x2] =	stream.indirect.gather.add.f32 [hbm:s7], $0x40, s0, s9, $0xb8;
	[tilespmem:$0xE400] =	vst v63  }
0x145: {  	s10 =	rddreg [dreg:$0x10]  }
0x146: {  	[tilespmem:s4], [sflag:$0x2] =	stream.indirect.gather.add.f32 [hbm:s7], $0x40, s10, s9, $0xb8;
	[tilespmem:$0xE400] =	vst v63  }
0x147: {  	s0 =	rddreg [dreg:$0x11]  }
0x148: {  	[tilespmem:s4], [sflag:$0x2] =	stream.indirect.gather.add.f32 [hbm:s7], $0x40, s0, s9, $0xb8;
	[tilespmem:$0xE400] =	vst v63  }
0x149: {  	s10 =	rddreg [dreg:$0x12]  }
0x14a: {  	[tilespmem:s4], [sflag:$0x3] =	stream.indirect.gather.add.f32 [hbm:s7], $0x40, s10, s9, $0xb8;
	[tilespmem:$0xE400] =	vst v63  }
0x14b: {  	s0 =	rddreg [dreg:$0x13]  }
0x14c: {  	[tilespmem:s4], [sflag:$0x3] =	stream.indirect.gather.add.f32 [hbm:s7], $0x40, s0, s9, $0xb8;
	[tilespmem:$0xE400] =	vst v63  }
0x14d: {  	s10 =	rddreg [dreg:$0x14]  }
0x14e: {  	[tilespmem:s4], [sflag:$0x3] =	stream.indirect.gather.add.f32 [hbm:s7], $0x40, s10, s9, $0xb8;
	[tilespmem:$0xE400] =	vst v63  }
0x14f: {  	s0 =	rddreg [dreg:$0x15]  }
0x150: {  	[tilespmem:s4], [sflag:$0x3] =	stream.indirect.gather.add.f32 [hbm:s7], $0x40, s0, s9, $0xb8;
	[tilespmem:$0xE400] =	vst v63  }
0x151: {  	s10 =	rddreg [dreg:$0x16]  }
0x152: {  	[tilespmem:s4], [sflag:$0x3] =	stream.indirect.gather.add.f32 [hbm:s7], $0x40, s10, s9, $0xb8;
	[tilespmem:$0xE400] =	vst v63  }
0x153: {  	s0 =	rddreg [dreg:$0x17]  }
0x154: {  	[tilespmem:s4], [sflag:$0x3] =	stream.indirect.gather.add.f32 [hbm:s7], $0x40, s0, s9, $0xb8;
	[tilespmem:$0xE400] =	vst v63  }
0x155: {  	s10 =	rddreg [dreg:$0x18]  }
0x156: {  	[tilespmem:s4], [sflag:$0x3] =	stream.indirect.gather.add.f32 [hbm:s7], $0x40, s10, s9, $0xb8;
	[tilespmem:$0xE400] =	vst v63  }
0x157: {  	_ =	swait.ge [sflag:s5], $0x8000  }
0x158: {  	[sflag:s5] =	ssyncset.done $0x0  }
0x159: {  	[sflag:s5] =	ssyncadd.s32 $0xFFFF8000  }
0x15a: {  	_ =	swait.ge [sflag:s5], $0x8000  }
0x15b: {  	[sflag:s5] =	ssyncset.done $0x0  }
0x15c: {  	[sflag:s5] =	ssyncadd.s32 $0xFFFF8000  }
0x15d: {  	_ =	swait.ge [sflag:s5], $0x8000  }
0x15e: {  	[sflag:s5] =	ssyncset.done $0x0  }
0x15f: {  	[sflag:s5] =	ssyncadd.s32 $0xFFFF8000  }
0x160: {  	_ =	swait.ge [sflag:s5], $0x8000  }
0x161: {  	[sflag:s5] =	ssyncset.done $0x0  }
0x162: {  	[sflag:s5] =	ssyncadd.s32 $0xFFFF8000  }
0x163: {  	_ =	swait.ge [sflag:s5], $0x8000  }
0x164: {  	[sflag:s5] =	ssyncset.done $0x0  }
0x165: {  	[sflag:s5] =	ssyncadd.s32 $0xFFFF8000  }
0x166: {  	_ =	swait.ge [sflag:s5], $0x8000  }
0x167: {  	[sflag:s5] =	ssyncset.done $0x0  }
0x168: {  	[sflag:s5] =	ssyncadd.s32 $0xFFFF8000  }
0x169: {  	_ =	swait.ge [sflag:s5], $0x8000  }
0x16a: {  	[sflag:s5] =	ssyncset.done $0x0  }
0x16b: {  	s0 =	rddreg [dreg:$0x19];
	[sflag:s5] =	ssyncadd.s32 $0xFFFF8000  }
0x16c: {  	[tilespmem:s4], [sflag:$0x1] =	stream.indirect.gather.add.f32 [hbm:s7], $0x40, s0, s9, $0xb8;
	[tilespmem:$0xE400] =	vst v63  }
0x16d: {  	s10 =	rddreg [dreg:$0x1a]  }
0x16e: {  	[tilespmem:s4], [sflag:$0x1] =	stream.indirect.gather.add.f32 [hbm:s7], $0x40, s10, s9, $0xb8;
	[tilespmem:$0xE400] =	vst v63  }
0x16f: {  	s0 =	rddreg [dreg:$0x1b]  }
0x170: {  	[tilespmem:s4], [sflag:$0x1] =	stream.indirect.gather.add.f32 [hbm:s7], $0x40, s0, s9, $0xb8;
	[tilespmem:$0xE400] =	vst v63  }
0x171: {  	s10 =	rddreg [dreg:$0x1c]  }
0x172: {  	[tilespmem:s4], [sflag:$0x1] =	stream.indirect.gather.add.f32 [hbm:s7], $0x40, s10, s9, $0xb8;
	[tilespmem:$0xE400] =	vst v63  }
0x173: {  	s0 =	rddreg [dreg:$0x1d]  }
0x174: {  	[tilespmem:s4], [sflag:$0x1] =	stream.indirect.gather.add.f32 [hbm:s7], $0x40, s0, s9, $0xb8;
	[tilespmem:$0xE400] =	vst v63  }
0x175: {  	s10 =	rddreg [dreg:$0x1e]  }
0x176: {  	[tilespmem:s4], [sflag:$0x1] =	stream.indirect.gather.add.f32 [hbm:s7], $0x40, s10, s9, $0xb8;
	[tilespmem:$0xE400] =	vst v63  }
0x177: {  	s0 =	rddreg [dreg:$0x1f]  }
0x178: {  	[tilespmem:s4], [sflag:$0x1] =	stream.indirect.gather.add.f32 [hbm:s7], $0x40, s0, s9, $0xb8;
	[tilespmem:$0xE400] =	vst v63  }
0x179: {  	_ =	swait.ge [sflag:s8], $0x8000  }
0x17a: {  	[sflag:s8] =	ssyncset.done $0x0  }
0x17b: {  	[sflag:s8] =	ssyncadd.s32 $0xFFFF8000  }
0x17c: {  	_ =	swait.ge [sflag:s8], $0x8000  }
0x17d: {  	[sflag:s8] =	ssyncset.done $0x0  }
0x17e: {  	[sflag:s8] =	ssyncadd.s32 $0xFFFF8000  }
0x17f: {  	_ =	swait.ge [sflag:s8], $0x8000  }
0x180: {  	[sflag:s8] =	ssyncset.done $0x0  }
0x181: {  	[sflag:s8] =	ssyncadd.s32 $0xFFFF8000  }
0x182: {  	_ =	swait.ge [sflag:s8], $0x8000  }
0x183: {  	[sflag:s8] =	ssyncset.done $0x0  }
0x184: {  	[sflag:s8] =	ssyncadd.s32 $0xFFFF8000  }
0x185: {  	_ =	swait.ge [sflag:s8], $0x8000  }
0x186: {  	[sflag:s8] =	ssyncset.done $0x0  }
0x187: {  	[sflag:s8] =	ssyncadd.s32 $0xFFFF8000  }
0x188: {  	_ =	swait.ge [sflag:s8], $0x8000  }
0x189: {  	[sflag:s8] =	ssyncset.done $0x0  }
0x18a: {  	[sflag:s8] =	ssyncadd.s32 $0xFFFF8000  }
0x18b: {  	_ =	swait.ge [sflag:s8], $0x8000  }
0x18c: {  	s10 =	sld [smem:$0x7FD]  }
0x18d: {  	[sflag:s8] =	ssyncset.done $0x0  }
0x18e: {  	[sflag:s8] =	ssyncadd.s32 $0xFFFF8000  }
0x18f: {  	[tilespmem:s4], [sflag:$0x2] =	stream.indirect.gather.add.f32 [hbm:s7], $0x40, s10, s9, $0xb8;
	[tilespmem:$0xE400] =	vst v63  }
0x190: {  	_ = 	snop  }
0x191: {  	[tilespmem:s4], [sflag:$0x2] =	stream.indirect.gather.add.f32 [hbm:s7], $0x40, s25, s9, $0xb8;
	[tilespmem:$0xE400] =	vst v63  }
0x192: {  	_ = 	snop  }
0x193: {  	[tilespmem:s4], [sflag:$0x2] =	stream.indirect.gather.add.f32 [hbm:s7], $0x40, s26, s9, $0xb8;
	[tilespmem:$0xE400] =	vst v63  }
0x194: {  	_ = 	snop  }
0x195: {  	[tilespmem:s4], [sflag:$0x2] =	stream.indirect.gather.add.f32 [hbm:s7], $0x40, s28, s9, $0xb8;
	[tilespmem:$0xE400] =	vst v63  }
0x196: {  	_ = 	snop  }
0x197: {  	[tilespmem:s4], [sflag:$0x2] =	stream.indirect.gather.add.f32 [hbm:s7], $0x40, s29, s9, $0xb8;
	[tilespmem:$0xE400] =	vst v63  }
0x198: {  	_ = 	snop  }
0x199: {  	[tilespmem:s4], [sflag:$0x2] =	stream.indirect.gather.add.f32 [hbm:s7], $0x40, s30, s9, $0xb8;
	[tilespmem:$0xE400] =	vst v63  }
0x19a: {  	_ = 	snop  }
0x19b: {  	[tilespmem:s4], [sflag:$0x2] =	stream.indirect.gather.add.f32 [hbm:s7], $0x40, s18, s9, $0xb8;
	[tilespmem:$0xE400] =	vst v63  }
0x19c: {  	_ =	swait.ge [sflag:s6], $0x8000  }
0x19d: {  	[sflag:s6] =	ssyncset.done $0x0  }
0x19e: {  	[sflag:s6] =	ssyncadd.s32 $0xFFFF8000  }
0x19f: {  	_ =	swait.ge [sflag:s6], $0x8000  }
0x1a0: {  	[sflag:s6] =	ssyncset.done $0x0  }
0x1a1: {  	[sflag:s6] =	ssyncadd.s32 $0xFFFF8000  }
0x1a2: {  	_ =	swait.ge [sflag:s6], $0x8000  }
0x1a3: {  	[sflag:s6] =	ssyncset.done $0x0  }
0x1a4: {  	[sflag:s6] =	ssyncadd.s32 $0xFFFF8000  }
0x1a5: {  	_ =	swait.ge [sflag:s6], $0x8000  }
0x1a6: {  	[sflag:s6] =	ssyncset.done $0x0  }
0x1a7: {  	[sflag:s6] =	ssyncadd.s32 $0xFFFF8000  }
0x1a8: {  	_ =	swait.ge [sflag:s6], $0x8000  }
0x1a9: {  	[sflag:s6] =	ssyncset.done $0x0  }
0x1aa: {  	[sflag:s6] =	ssyncadd.s32 $0xFFFF8000  }
0x1ab: {  	_ =	swait.ge [sflag:s6], $0x8000  }
0x1ac: {  	[sflag:s6] =	ssyncset.done $0x0  }
0x1ad: {  	[sflag:s6] =	ssyncadd.s32 $0xFFFF8000  }
0x1ae: {  	_ =	swait.ge [sflag:s6], $0x8000  }
0x1af: {  	[sflag:s6] =	ssyncset.done $0x0  }
0x1b0: {  	s10 =	simm.s32 $0x4800;
	[sflag:s6] =	ssyncadd.s32 $0xFFFF8000  }
0x1b1: {  	[tilespmem:s4], [sflag:$0x3] =	stream.indirect.gather.add.f32 [hbm:s7], $0x40, s10, s9, $0xb8;
	[tilespmem:$0xE400] =	vst v63  }
0x1b2: {  	_ = 	snop  }
0x1b3: {  	[tilespmem:s4], [sflag:$0x3] =	stream.indirect.gather.add.f32 [hbm:s7], $0x40, s19, s9, $0xb8;
	[tilespmem:$0xE400] =	vst v63  }
0x1b4: {  	_ = 	snop  }
0x1b5: {  	[tilespmem:s4], [sflag:$0x3] =	stream.indirect.gather.add.f32 [hbm:s7], $0x40, s20, s9, $0xb8;
	[tilespmem:$0xE400] =	vst v63  }
0x1b6: {  	_ = 	snop  }
0x1b7: {  	[tilespmem:s4], [sflag:$0x3] =	stream.indirect.gather.add.f32 [hbm:s7], $0x40, s21, s9, $0xb8;
	[tilespmem:$0xE400] =	vst v63  }
0x1b8: {  	_ = 	snop  }
0x1b9: {  	[tilespmem:s4], [sflag:$0x3] =	stream.indirect.gather.add.f32 [hbm:s7], $0x40, s22, s9, $0xb8;
	[tilespmem:$0xE400] =	vst v63  }
0x1ba: {  	_ = 	snop  }
0x1bb: {  	[tilespmem:s4], [sflag:$0x3] =	stream.indirect.gather.add.f32 [hbm:s7], $0x40, s23, s9, $0xb8;
	[tilespmem:$0xE400] =	vst v63  }
0x1bc: {  	_ = 	snop  }
0x1bd: {  	[tilespmem:s4], [sflag:$0x3] =	stream.indirect.gather.add.f32 [hbm:s7], $0x40, s24, s9, $0xb8;
	[tilespmem:$0xE400] =	vst v63  }
0x1be: {  	_ =	swait.ge [sflag:s5], $0x8000  }
0x1bf: {  	[sflag:s5] =	ssyncset.done $0x0  }
0x1c0: {  	[sflag:s5] =	ssyncadd.s32 $0xFFFF8000  }
0x1c1: {  	_ =	swait.ge [sflag:s5], $0x8000  }
0x1c2: {  	[sflag:s5] =	ssyncset.done $0x0  }
0x1c3: {  	[sflag:s5] =	ssyncadd.s32 $0xFFFF8000  }
0x1c4: {  	_ =	swait.ge [sflag:s5], $0x8000  }
0x1c5: {  	[sflag:s5] =	ssyncset.done $0x0  }
0x1c6: {  	[sflag:s5] =	ssyncadd.s32 $0xFFFF8000  }
0x1c7: {  	_ =	swait.ge [sflag:s5], $0x8000  }
0x1c8: {  	[sflag:s5] =	ssyncset.done $0x0  }
0x1c9: {  	[sflag:s5] =	ssyncadd.s32 $0xFFFF8000  }
0x1ca: {  	_ =	swait.ge [sflag:s5], $0x8000  }
0x1cb: {  	[sflag:s5] =	ssyncset.done $0x0  }
0x1cc: {  	[sflag:s5] =	ssyncadd.s32 $0xFFFF8000  }
0x1cd: {  	_ =	swait.ge [sflag:s5], $0x8000  }
0x1ce: {  	[sflag:s5] =	ssyncset.done $0x0  }
0x1cf: {  	[sflag:s5] =	ssyncadd.s32 $0xFFFF8000  }
0x1d0: {  	_ =	swait.ge [sflag:s5], $0x8000  }
0x1d1: {  	[sflag:s5] =	ssyncset.done $0x0  }
0x1d2: {  	[sflag:s5] =	ssyncadd.s32 $0xFFFF8000  }
0x1d3: {  	[tilespmem:s4], [sflag:$0x1] =	stream.indirect.gather.add.f32 [hbm:s7], $0x40, s11, s9, $0xb8;
	[tilespmem:$0xE400] =	vst v63  }
0x1d4: {  	_ = 	snop  }
0x1d5: {  	[tilespmem:s4], [sflag:$0x1] =	stream.indirect.gather.add.f32 [hbm:s7], $0x40, s12, s9, $0xb8;
	[tilespmem:$0xE400] =	vst v63  }
0x1d6: {  	_ = 	snop  }
0x1d7: {  	[tilespmem:s4], [sflag:$0x1] =	stream.indirect.gather.add.f32 [hbm:s7], $0x40, s13, s9, $0xb8;
	[tilespmem:$0xE400] =	vst v63  }
0x1d8: {  	_ = 	snop  }
0x1d9: {  	[tilespmem:s4], [sflag:$0x1] =	stream.indirect.gather.add.f32 [hbm:s7], $0x40, s14, s9, $0xb8;
	[tilespmem:$0xE400] =	vst v63  }
0x1da: {  	_ = 	snop  }
0x1db: {  	[tilespmem:s4], [sflag:$0x1] =	stream.indirect.gather.add.f32 [hbm:s7], $0x40, s15, s9, $0xb8;
	[tilespmem:$0xE400] =	vst v63  }
0x1dc: {  	_ = 	snop  }
0x1dd: {  	[tilespmem:s4], [sflag:$0x1] =	stream.indirect.gather.add.f32 [hbm:s7], $0x40, s16, s9, $0xb8;
	[tilespmem:$0xE400] =	vst v63  }
0x1de: {  	_ = 	snop  }
0x1df: {  	[tilespmem:s4], [sflag:$0x1] =	stream.indirect.gather.add.f32 [hbm:s7], $0x40, s17, s9, $0xb8;
	[tilespmem:$0xE400] =	vst v63  }
0x1e0: {  	_ =	swait.ge [sflag:s8], $0x8000  }
0x1e1: {  	[sflag:s8] =	ssyncset.done $0x0  }
0x1e2: {  	[sflag:s8] =	ssyncadd.s32 $0xFFFF8000  }
0x1e3: {  	_ =	swait.ge [sflag:s8], $0x8000  }
0x1e4: {  	[sflag:s8] =	ssyncset.done $0x0  }
0x1e5: {  	[sflag:s8] =	ssyncadd.s32 $0xFFFF8000  }
0x1e6: {  	_ =	swait.ge [sflag:s8], $0x8000  }
0x1e7: {  	[sflag:s8] =	ssyncset.done $0x0  }
0x1e8: {  	[sflag:s8] =	ssyncadd.s32 $0xFFFF8000  }
0x1e9: {  	_ =	swait.ge [sflag:s8], $0x8000  }
0x1ea: {  	[sflag:s8] =	ssyncset.done $0x0  }
0x1eb: {  	[sflag:s8] =	ssyncadd.s32 $0xFFFF8000  }
0x1ec: {  	_ =	swait.ge [sflag:s8], $0x8000  }
0x1ed: {  	[sflag:s8] =	ssyncset.done $0x0  }
0x1ee: {  	[sflag:s8] =	ssyncadd.s32 $0xFFFF8000  }
0x1ef: {  	_ =	swait.ge [sflag:s8], $0x8000  }
0x1f0: {  	[sflag:s8] =	ssyncset.done $0x0  }
0x1f1: {  	[sflag:s8] =	ssyncadd.s32 $0xFFFF8000  }
0x1f2: {  	_ =	swait.ge [sflag:s8], $0x8000  }
0x1f3: {  	[sflag:s8] =	ssyncset.done $0x0  }
0x1f4: {  	[sflag:s8] =	ssyncadd.s32 $0xFFFF8000  }
0x1f5: {  	_ =	swait.ge [sflag:s6], $0x8000  }
0x1f6: {  	[sflag:s6] =	ssyncset.done $0x0  }
0x1f7: {  	[sflag:s6] =	ssyncadd.s32 $0xFFFF8000  }
0x1f8: {  	_ =	swait.ge [sflag:s6], $0x8000  }
0x1f9: {  	[sflag:s6] =	ssyncset.done $0x0  }
0x1fa: {  	[sflag:s6] =	ssyncadd.s32 $0xFFFF8000  }
0x1fb: {  	_ =	swait.ge [sflag:s6], $0x8000  }
0x1fc: {  	[sflag:s6] =	ssyncset.done $0x0  }
0x1fd: {  	[sflag:s6] =	ssyncadd.s32 $0xFFFF8000  }
0x1fe: {  	_ =	swait.ge [sflag:s6], $0x8000  }
0x1ff: {  	[sflag:s6] =	ssyncset.done $0x0  }
0x200: {  	[sflag:s6] =	ssyncadd.s32 $0xFFFF8000  }
0x201: {  	_ =	swait.ge [sflag:s6], $0x8000  }
0x202: {  	[sflag:s6] =	ssyncset.done $0x0  }
0x203: {  	[sflag:s6] =	ssyncadd.s32 $0xFFFF8000  }
0x204: {  	_ =	swait.ge [sflag:s6], $0x8000  }
0x205: {  	[sflag:s6] =	ssyncset.done $0x0  }
0x206: {  	[sflag:s6] =	ssyncadd.s32 $0xFFFF8000  }
0x207: {  	_ =	swait.ge [sflag:s6], $0x8000  }
0x208: {  	[sflag:s6] =	ssyncset.done $0x0  }
0x209: {  	[sflag:s6] =	ssyncadd.s32 $0xFFFF8000  }
0x20a: {  	_ =	swait.ge [sflag:s5], $0x8000  }
0x20b: {  	[sflag:s5] =	ssyncset.done $0x0  }
0x20c: {  	[sflag:s5] =	ssyncadd.s32 $0xFFFF8000  }
0x20d: {  	_ =	swait.ge [sflag:s5], $0x8000  }
0x20e: {  	[sflag:s5] =	ssyncset.done $0x0  }
0x20f: {  	[sflag:s5] =	ssyncadd.s32 $0xFFFF8000  }
0x210: {  	_ =	swait.ge [sflag:s5], $0x8000  }
0x211: {  	[sflag:s5] =	ssyncset.done $0x0  }
0x212: {  	[sflag:s5] =	ssyncadd.s32 $0xFFFF8000  }
0x213: {  	_ =	swait.ge [sflag:s5], $0x8000  }
0x214: {  	[sflag:s5] =	ssyncset.done $0x0  }
0x215: {  	[sflag:s5] =	ssyncadd.s32 $0xFFFF8000  }
0x216: {  	_ =	swait.ge [sflag:s5], $0x8000  }
0x217: {  	[sflag:s5] =	ssyncset.done $0x0  }
0x218: {  	[sflag:s5] =	ssyncadd.s32 $0xFFFF8000  }
0x219: {  	_ =	swait.ge [sflag:s5], $0x8000  }
0x21a: {  	[sflag:s5] =	ssyncset.done $0x0  }
0x21b: {  	[sflag:s5] =	ssyncadd.s32 $0xFFFF8000  }
0x21c: {  	p1 =	sne.s32 s1, $0x1;
	_ =	swait.ge [sflag:s5], $0x8000  }
.Ltmp2:
0x21d: {  	[sflag:s5] =	ssyncset.done $0x0;
	(pc) =	sbr.rel @p1 .LBB2_4-.Ltmp2, $4  }
0x21e: {  	s10 =	rddreg [dreg:$0x4];
	[sflag:s5] =	ssyncadd.s32 $0xFFFF8000  }
0x21f: {  	[hbm4b:s10+s2] =	stream.linear.scatter [tilespmem:s4], [sflag:$0x5], $0x8000, $0x38;
	[tilespmem:$0xE400] =	vst v63  }
0x220: {  	_ =	swait.ge [sflag:s3], $0x8000  }
0x221: {  	s1 =	sadd.s32 $0xFFFFFFFF, s1;
	s0 =	rddreg [dreg:$0x3];
	[sflag:s3] =	ssyncset.done $0x0  }
0x222: {  	s17 =	simm.s32 $0x4600;
	s30 =	simm.s32 $0x4400  }
0x223: {  	s29 =	simm.s32 $0x4200;
	s28 =	simm.s32 $0x4000;
	s26 =	simm.s32 $0x3E00  }
0x224: {  	s25 =	simm.s32 $0x3C00;
	s24 =	simm.s32 $0x5400;
	s23 =	simm.s32 $0x5200  }
0x225: {  	s22 =	simm.s32 $0x5000;
	s21 =	simm.s32 $0x4E00;
	s20 =	simm.s32 $0x4C00  }
0x226: {  	s19 =	simm.s32 $0x4A00;
	s18 =	simm.s32 $0x4800;
	s16 =	simm.s32 $0x6000  }
0x227: {  	s15 =	simm.s32 $0x5E00;
	s14 =	simm.s32 $0x5C00;
	s13 =	simm.s32 $0x5A00  }
0x228: {  	s12 =	simm.s32 $0x5800;
	s11 =	simm.s32 $0x5600;
	s10 =	stileid.u32  }
.LBB2_6:
0x229: {  	[sflag:s3] =	ssyncadd.s32 @p0 $0xFFFF8000  }
0x22a: {  	[tilespmem:s2], [sflag:$0x5] =	stream.linear.gather [hbm4b:s0+s2], $0x6400, $0x38;
	[tilespmem:$0xE400] =	vst v63  }
0x22b: {  	_ =	swait.ge [sflag:s3], $0x6400  }
0x22c: {  	[sflag:s3] =	ssyncset.done $0x0  }
0x22d: {  	[sflag:s3] =	ssyncadd.s32 $0xFFFF9C00  }
0x22e: {  	[tilespmem:s4], [sflag:$0x4] =	stream.indirect.gather [hbm4b:s7+s9], $0x40, s2, s9, $0xb8;
	[tilespmem:$0xE400] =	vst v63  }
0x22f: {  	_ =	swait.ge [sflag:s31], $0x8000  }
0x230: {  	[sflag:s31] =	ssyncset.done $0x0  }
0x231: {  	[sflag:s31] =	ssyncadd.s32 $0xFFFF8000  }
0x232: {  	[tilespmem:s4], [sflag:$0x1] =	stream.indirect.gather.add.f32 [hbm:s7], $0x40, s9, s9, $0xb8;
	[tilespmem:$0xE400] =	vst v63  }
0x233: {  	s31 =	rddreg [dreg:$0x5]  }
0x234: {  	[tilespmem:s4], [sflag:$0x1] =	stream.indirect.gather.add.f32 [hbm:s7], $0x40, s31, s9, $0xb8;
	[tilespmem:$0xE400] =	vst v63  }
0x235: {  	s1 =	rddreg [dreg:$0x6]  }
0x236: {  	[tilespmem:s4], [sflag:$0x1] =	stream.indirect.gather.add.f32 [hbm:s7], $0x40, s1, s9, $0xb8;
	[tilespmem:$0xE400] =	vst v63  }
0x237: {  	s0 =	rddreg [dreg:$0x7]  }
0x238: {  	[tilespmem:s4], [sflag:$0x1] =	stream.indirect.gather.add.f32 [hbm:s7], $0x40, s0, s9, $0xb8;
	[tilespmem:$0xE400] =	vst v63  }
0x239: {  	s31 =	rddreg [dreg:$0x8]  }
0x23a: {  	[tilespmem:s4], [sflag:$0x1] =	stream.indirect.gather.add.f32 [hbm:s7], $0x40, s31, s9, $0xb8;
	[tilespmem:$0xE400] =	vst v63  }
0x23b: {  	s0 =	rddreg [dreg:$0x9]  }
0x23c: {  	[tilespmem:s4], [sflag:$0x1] =	stream.indirect.gather.add.f32 [hbm:s7], $0x40, s0, s9, $0xb8;
	[tilespmem:$0xE400] =	vst v63  }
0x23d: {  	s31 =	rddreg [dreg:$0xa]  }
0x23e: {  	[tilespmem:s4], [sflag:$0x1] =	stream.indirect.gather.add.f32 [hbm:s7], $0x40, s31, s9, $0xb8;
	[tilespmem:$0xE400] =	vst v63  }
0x23f: {  	s0 =	rddreg [dreg:$0xb]  }
0x240: {  	[tilespmem:s4], [sflag:$0x2] =	stream.indirect.gather.add.f32 [hbm:s7], $0x40, s0, s9, $0xb8;
	[tilespmem:$0xE400] =	vst v63  }
0x241: {  	s31 =	rddreg [dreg:$0xc]  }
0x242: {  	[tilespmem:s4], [sflag:$0x2] =	stream.indirect.gather.add.f32 [hbm:s7], $0x40, s31, s9, $0xb8;
	[tilespmem:$0xE400] =	vst v63  }
0x243: {  	s0 =	rddreg [dreg:$0xd]  }
0x244: {  	[tilespmem:s4], [sflag:$0x2] =	stream.indirect.gather.add.f32 [hbm:s7], $0x40, s0, s9, $0xb8;
	[tilespmem:$0xE400] =	vst v63  }
0x245: {  	s31 =	rddreg [dreg:$0xe]  }
0x246: {  	[tilespmem:s4], [sflag:$0x2] =	stream.indirect.gather.add.f32 [hbm:s7], $0x40, s31, s9, $0xb8;
	[tilespmem:$0xE400] =	vst v63  }
0x247: {  	s0 =	rddreg [dreg:$0xf]  }
0x248: {  	[tilespmem:s4], [sflag:$0x2] =	stream.indirect.gather.add.f32 [hbm:s7], $0x40, s0, s9, $0xb8;
	[tilespmem:$0xE400] =	vst v63  }
0x249: {  	s31 =	rddreg [dreg:$0x10]  }
0x24a: {  	[tilespmem:s4], [sflag:$0x2] =	stream.indirect.gather.add.f32 [hbm:s7], $0x40, s31, s9, $0xb8;
	[tilespmem:$0xE400] =	vst v63  }
0x24b: {  	s0 =	rddreg [dreg:$0x11]  }
0x24c: {  	[tilespmem:s4], [sflag:$0x2] =	stream.indirect.gather.add.f32 [hbm:s7], $0x40, s0, s9, $0xb8;
	[tilespmem:$0xE400] =	vst v63  }
0x24d: {  	s31 =	rddreg [dreg:$0x12]  }
0x24e: {  	[tilespmem:s4], [sflag:$0x3] =	stream.indirect.gather.add.f32 [hbm:s7], $0x40, s31, s9, $0xb8;
	[tilespmem:$0xE400] =	vst v63  }
0x24f: {  	s0 =	rddreg [dreg:$0x13]  }
0x250: {  	[tilespmem:s4], [sflag:$0x3] =	stream.indirect.gather.add.f32 [hbm:s7], $0x40, s0, s9, $0xb8;
	[tilespmem:$0xE400] =	vst v63  }
0x251: {  	s31 =	rddreg [dreg:$0x14]  }
0x252: {  	[tilespmem:s4], [sflag:$0x3] =	stream.indirect.gather.add.f32 [hbm:s7], $0x40, s31, s9, $0xb8;
	[tilespmem:$0xE400] =	vst v63  }
0x253: {  	s0 =	rddreg [dreg:$0x15]  }
0x254: {  	[tilespmem:s4], [sflag:$0x3] =	stream.indirect.gather.add.f32 [hbm:s7], $0x40, s0, s9, $0xb8;
	[tilespmem:$0xE400] =	vst v63  }
0x255: {  	s31 =	rddreg [dreg:$0x16]  }
0x256: {  	[tilespmem:s4], [sflag:$0x3] =	stream.indirect.gather.add.f32 [hbm:s7], $0x40, s31, s9, $0xb8;
	[tilespmem:$0xE400] =	vst v63  }
0x257: {  	s0 =	rddreg [dreg:$0x17]  }
0x258: {  	[tilespmem:s4], [sflag:$0x3] =	stream.indirect.gather.add.f32 [hbm:s7], $0x40, s0, s9, $0xb8;
	[tilespmem:$0xE400] =	vst v63  }
0x259: {  	s31 =	rddreg [dreg:$0x18]  }
0x25a: {  	[tilespmem:s4], [sflag:$0x3] =	stream.indirect.gather.add.f32 [hbm:s7], $0x40, s31, s9, $0xb8;
	[tilespmem:$0xE400] =	vst v63  }
0x25b: {  	_ =	swait.ge [sflag:s5], $0x8000  }
0x25c: {  	[sflag:s5] =	ssyncset.done $0x0  }
0x25d: {  	[sflag:s5] =	ssyncadd.s32 $0xFFFF8000  }
0x25e: {  	_ =	swait.ge [sflag:s5], $0x8000  }
0x25f: {  	[sflag:s5] =	ssyncset.done $0x0  }
0x260: {  	[sflag:s5] =	ssyncadd.s32 $0xFFFF8000  }
0x261: {  	_ =	swait.ge [sflag:s5], $0x8000  }
0x262: {  	[sflag:s5] =	ssyncset.done $0x0  }
0x263: {  	[sflag:s5] =	ssyncadd.s32 $0xFFFF8000  }
0x264: {  	_ =	swait.ge [sflag:s5], $0x8000  }
0x265: {  	[sflag:s5] =	ssyncset.done $0x0  }
0x266: {  	[sflag:s5] =	ssyncadd.s32 $0xFFFF8000  }
0x267: {  	_ =	swait.ge [sflag:s5], $0x8000  }
0x268: {  	[sflag:s5] =	ssyncset.done $0x0  }
0x269: {  	[sflag:s5] =	ssyncadd.s32 $0xFFFF8000  }
0x26a: {  	_ =	swait.ge [sflag:s5], $0x8000  }
0x26b: {  	[sflag:s5] =	ssyncset.done $0x0  }
0x26c: {  	[sflag:s5] =	ssyncadd.s32 $0xFFFF8000  }
0x26d: {  	_ =	swait.ge [sflag:s5], $0x8000  }
0x26e: {  	[sflag:s5] =	ssyncset.done $0x0  }
0x26f: {  	s31 =	rddreg [dreg:$0x19];
	[sflag:s5] =	ssyncadd.s32 $0xFFFF8000  }
0x270: {  	[tilespmem:s4], [sflag:$0x1] =	stream.indirect.gather.add.f32 [hbm:s7], $0x40, s31, s9, $0xb8;
	[tilespmem:$0xE400] =	vst v63  }
0x271: {  	s1 =	rddreg [dreg:$0x1a]  }
0x272: {  	[tilespmem:s4], [sflag:$0x1] =	stream.indirect.gather.add.f32 [hbm:s7], $0x40, s1, s9, $0xb8;
	[tilespmem:$0xE400] =	vst v63  }
0x273: {  	s31 =	rddreg [dreg:$0x1b]  }
0x274: {  	[tilespmem:s4], [sflag:$0x1] =	stream.indirect.gather.add.f32 [hbm:s7], $0x40, s31, s9, $0xb8;
	[tilespmem:$0xE400] =	vst v63  }
0x275: {  	s1 =	rddreg [dreg:$0x1c]  }
0x276: {  	[tilespmem:s4], [sflag:$0x1] =	stream.indirect.gather.add.f32 [hbm:s7], $0x40, s1, s9, $0xb8;
	[tilespmem:$0xE400] =	vst v63  }
0x277: {  	s31 =	rddreg [dreg:$0x1d]  }
0x278: {  	[tilespmem:s4], [sflag:$0x1] =	stream.indirect.gather.add.f32 [hbm:s7], $0x40, s31, s9, $0xb8;
	[tilespmem:$0xE400] =	vst v63  }
0x279: {  	s1 =	rddreg [dreg:$0x1e]  }
0x27a: {  	[tilespmem:s4], [sflag:$0x1] =	stream.indirect.gather.add.f32 [hbm:s7], $0x40, s1, s9, $0xb8;
	[tilespmem:$0xE400] =	vst v63  }
0x27b: {  	s31 =	rddreg [dreg:$0x1f]  }
0x27c: {  	[tilespmem:s4], [sflag:$0x1] =	stream.indirect.gather.add.f32 [hbm:s7], $0x40, s31, s9, $0xb8;
	[tilespmem:$0xE400] =	vst v63  }
0x27d: {  	_ =	swait.ge [sflag:s8], $0x8000  }
0x27e: {  	[sflag:s8] =	ssyncset.done $0x0  }
0x27f: {  	[sflag:s8] =	ssyncadd.s32 $0xFFFF8000  }
0x280: {  	_ =	swait.ge [sflag:s8], $0x8000  }
0x281: {  	[sflag:s8] =	ssyncset.done $0x0  }
0x282: {  	[sflag:s8] =	ssyncadd.s32 $0xFFFF8000  }
0x283: {  	_ =	swait.ge [sflag:s8], $0x8000  }
0x284: {  	[sflag:s8] =	ssyncset.done $0x0  }
0x285: {  	[sflag:s8] =	ssyncadd.s32 $0xFFFF8000  }
0x286: {  	_ =	swait.ge [sflag:s8], $0x8000  }
0x287: {  	[sflag:s8] =	ssyncset.done $0x0  }
0x288: {  	[sflag:s8] =	ssyncadd.s32 $0xFFFF8000  }
0x289: {  	_ =	swait.ge [sflag:s8], $0x8000  }
0x28a: {  	[sflag:s8] =	ssyncset.done $0x0  }
0x28b: {  	[sflag:s8] =	ssyncadd.s32 $0xFFFF8000  }
0x28c: {  	_ =	swait.ge [sflag:s8], $0x8000  }
0x28d: {  	[sflag:s8] =	ssyncset.done $0x0  }
0x28e: {  	[sflag:s8] =	ssyncadd.s32 $0xFFFF8000  }
0x28f: {  	_ =	swait.ge [sflag:s8], $0x8000  }
0x290: {  	s1 =	sld [smem:$0x7FD]  }
0x291: {  	[sflag:s8] =	ssyncset.done $0x0  }
0x292: {  	[sflag:s8] =	ssyncadd.s32 $0xFFFF8000  }
0x293: {  	[tilespmem:s4], [sflag:$0x2] =	stream.indirect.gather.add.f32 [hbm:s7], $0x40, s1, s9, $0xb8;
	[tilespmem:$0xE400] =	vst v63  }
0x294: {  	_ = 	snop  }
0x295: {  	[tilespmem:s4], [sflag:$0x2] =	stream.indirect.gather.add.f32 [hbm:s7], $0x40, s25, s9, $0xb8;
	[tilespmem:$0xE400] =	vst v63  }
0x296: {  	_ = 	snop  }
0x297: {  	[tilespmem:s4], [sflag:$0x2] =	stream.indirect.gather.add.f32 [hbm:s7], $0x40, s26, s9, $0xb8;
	[tilespmem:$0xE400] =	vst v63  }
0x298: {  	_ = 	snop  }
0x299: {  	[tilespmem:s4], [sflag:$0x2] =	stream.indirect.gather.add.f32 [hbm:s7], $0x40, s28, s9, $0xb8;
	[tilespmem:$0xE400] =	vst v63  }
0x29a: {  	_ = 	snop  }
0x29b: {  	[tilespmem:s4], [sflag:$0x2] =	stream.indirect.gather.add.f32 [hbm:s7], $0x40, s29, s9, $0xb8;
	[tilespmem:$0xE400] =	vst v63  }
0x29c: {  	_ = 	snop  }
0x29d: {  	[tilespmem:s4], [sflag:$0x2] =	stream.indirect.gather.add.f32 [hbm:s7], $0x40, s30, s9, $0xb8;
	[tilespmem:$0xE400] =	vst v63  }
0x29e: {  	_ = 	snop  }
0x29f: {  	[tilespmem:s4], [sflag:$0x2] =	stream.indirect.gather.add.f32 [hbm:s7], $0x40, s17, s9, $0xb8;
	[tilespmem:$0xE400] =	vst v63  }
0x2a0: {  	_ =	swait.ge [sflag:s6], $0x8000  }
0x2a1: {  	[sflag:s6] =	ssyncset.done $0x0  }
0x2a2: {  	[sflag:s6] =	ssyncadd.s32 $0xFFFF8000  }
0x2a3: {  	_ =	swait.ge [sflag:s6], $0x8000  }
0x2a4: {  	[sflag:s6] =	ssyncset.done $0x0  }
0x2a5: {  	[sflag:s6] =	ssyncadd.s32 $0xFFFF8000  }
0x2a6: {  	_ =	swait.ge [sflag:s6], $0x8000  }
0x2a7: {  	[sflag:s6] =	ssyncset.done $0x0  }
0x2a8: {  	[sflag:s6] =	ssyncadd.s32 $0xFFFF8000  }
0x2a9: {  	_ =	swait.ge [sflag:s6], $0x8000  }
0x2aa: {  	[sflag:s6] =	ssyncset.done $0x0  }
0x2ab: {  	[sflag:s6] =	ssyncadd.s32 $0xFFFF8000  }
0x2ac: {  	_ =	swait.ge [sflag:s6], $0x8000  }
0x2ad: {  	[sflag:s6] =	ssyncset.done $0x0  }
0x2ae: {  	[sflag:s6] =	ssyncadd.s32 $0xFFFF8000  }
0x2af: {  	_ =	swait.ge [sflag:s6], $0x8000  }
0x2b0: {  	[sflag:s6] =	ssyncset.done $0x0  }
0x2b1: {  	[sflag:s6] =	ssyncadd.s32 $0xFFFF8000  }
0x2b2: {  	_ =	swait.ge [sflag:s6], $0x8000  }
0x2b3: {  	[sflag:s6] =	ssyncset.done $0x0  }
0x2b4: {  	[sflag:s6] =	ssyncadd.s32 $0xFFFF8000  }
0x2b5: {  	[tilespmem:s4], [sflag:$0x3] =	stream.indirect.gather.add.f32 [hbm:s7], $0x40, s18, s9, $0xb8;
	[tilespmem:$0xE400] =	vst v63  }
0x2b6: {  	_ = 	snop  }
0x2b7: {  	[tilespmem:s4], [sflag:$0x3] =	stream.indirect.gather.add.f32 [hbm:s7], $0x40, s19, s9, $0xb8;
	[tilespmem:$0xE400] =	vst v63  }
0x2b8: {  	_ = 	snop  }
0x2b9: {  	[tilespmem:s4], [sflag:$0x3] =	stream.indirect.gather.add.f32 [hbm:s7], $0x40, s20, s9, $0xb8;
	[tilespmem:$0xE400] =	vst v63  }
0x2ba: {  	_ = 	snop  }
0x2bb: {  	[tilespmem:s4], [sflag:$0x3] =	stream.indirect.gather.add.f32 [hbm:s7], $0x40, s21, s9, $0xb8;
	[tilespmem:$0xE400] =	vst v63  }
0x2bc: {  	_ = 	snop  }
0x2bd: {  	[tilespmem:s4], [sflag:$0x3] =	stream.indirect.gather.add.f32 [hbm:s7], $0x40, s22, s9, $0xb8;
	[tilespmem:$0xE400] =	vst v63  }
0x2be: {  	_ = 	snop  }
0x2bf: {  	[tilespmem:s4], [sflag:$0x3] =	stream.indirect.gather.add.f32 [hbm:s7], $0x40, s23, s9, $0xb8;
	[tilespmem:$0xE400] =	vst v63  }
0x2c0: {  	_ = 	snop  }
0x2c1: {  	[tilespmem:s4], [sflag:$0x3] =	stream.indirect.gather.add.f32 [hbm:s7], $0x40, s24, s9, $0xb8;
	[tilespmem:$0xE400] =	vst v63  }
0x2c2: {  	_ =	swait.ge [sflag:s5], $0x8000  }
0x2c3: {  	[sflag:s5] =	ssyncset.done $0x0  }
0x2c4: {  	[sflag:s5] =	ssyncadd.s32 $0xFFFF8000  }
0x2c5: {  	_ =	swait.ge [sflag:s5], $0x8000  }
0x2c6: {  	[sflag:s5] =	ssyncset.done $0x0  }
0x2c7: {  	[sflag:s5] =	ssyncadd.s32 $0xFFFF8000  }
0x2c8: {  	_ =	swait.ge [sflag:s5], $0x8000  }
0x2c9: {  	[sflag:s5] =	ssyncset.done $0x0  }
0x2ca: {  	[sflag:s5] =	ssyncadd.s32 $0xFFFF8000  }
0x2cb: {  	_ =	swait.ge [sflag:s5], $0x8000  }
0x2cc: {  	[sflag:s5] =	ssyncset.done $0x0  }
0x2cd: {  	[sflag:s5] =	ssyncadd.s32 $0xFFFF8000  }
0x2ce: {  	_ =	swait.ge [sflag:s5], $0x8000  }
0x2cf: {  	[sflag:s5] =	ssyncset.done $0x0  }
0x2d0: {  	[sflag:s5] =	ssyncadd.s32 $0xFFFF8000  }
0x2d1: {  	_ =	swait.ge [sflag:s5], $0x8000  }
0x2d2: {  	[sflag:s5] =	ssyncset.done $0x0  }
0x2d3: {  	[sflag:s5] =	ssyncadd.s32 $0xFFFF8000  }
0x2d4: {  	_ =	swait.ge [sflag:s5], $0x8000  }
0x2d5: {  	[sflag:s5] =	ssyncset.done $0x0  }
0x2d6: {  	[sflag:s5] =	ssyncadd.s32 $0xFFFF8000  }
0x2d7: {  	[tilespmem:s4], [sflag:$0x1] =	stream.indirect.gather.add.f32 [hbm:s7], $0x40, s11, s9, $0xb8;
	[tilespmem:$0xE400] =	vst v63  }
0x2d8: {  	_ = 	snop  }
0x2d9: {  	[tilespmem:s4], [sflag:$0x1] =	stream.indirect.gather.add.f32 [hbm:s7], $0x40, s12, s9, $0xb8;
	[tilespmem:$0xE400] =	vst v63  }
0x2da: {  	_ = 	snop  }
0x2db: {  	[tilespmem:s4], [sflag:$0x1] =	stream.indirect.gather.add.f32 [hbm:s7], $0x40, s13, s9, $0xb8;
	[tilespmem:$0xE400] =	vst v63  }
0x2dc: {  	_ = 	snop  }
0x2dd: {  	[tilespmem:s4], [sflag:$0x1] =	stream.indirect.gather.add.f32 [hbm:s7], $0x40, s14, s9, $0xb8;
	[tilespmem:$0xE400] =	vst v63  }
0x2de: {  	_ = 	snop  }
0x2df: {  	[tilespmem:s4], [sflag:$0x1] =	stream.indirect.gather.add.f32 [hbm:s7], $0x40, s15, s9, $0xb8;
	[tilespmem:$0xE400] =	vst v63  }
0x2e0: {  	_ = 	snop  }
0x2e1: {  	[tilespmem:s4], [sflag:$0x1] =	stream.indirect.gather.add.f32 [hbm:s7], $0x40, s16, s9, $0xb8;
	[tilespmem:$0xE400] =	vst v63  }
0x2e2: {  	s30 =	simm.s32 $0x6200  }
0x2e3: {  	[tilespmem:s4], [sflag:$0x1] =	stream.indirect.gather.add.f32 [hbm:s7], $0x40, s30, s9, $0xb8;
	[tilespmem:$0xE400] =	vst v63  }
0x2e4: {  	_ =	swait.ge [sflag:s8], $0x8000  }
0x2e5: {  	[sflag:s8] =	ssyncset.done $0x0  }
0x2e6: {  	[sflag:s8] =	ssyncadd.s32 $0xFFFF8000  }
0x2e7: {  	_ =	swait.ge [sflag:s8], $0x8000  }
0x2e8: {  	[sflag:s8] =	ssyncset.done $0x0  }
0x2e9: {  	[sflag:s8] =	ssyncadd.s32 $0xFFFF8000  }
0x2ea: {  	_ =	swait.ge [sflag:s8], $0x8000  }
0x2eb: {  	[sflag:s8] =	ssyncset.done $0x0  }
0x2ec: {  	[sflag:s8] =	ssyncadd.s32 $0xFFFF8000  }
0x2ed: {  	_ =	swait.ge [sflag:s8], $0x8000  }
0x2ee: {  	[sflag:s8] =	ssyncset.done $0x0  }
0x2ef: {  	[sflag:s8] =	ssyncadd.s32 $0xFFFF8000  }
0x2f0: {  	_ =	swait.ge [sflag:s8], $0x8000  }
0x2f1: {  	[sflag:s8] =	ssyncset.done $0x0  }
0x2f2: {  	[sflag:s8] =	ssyncadd.s32 $0xFFFF8000  }
0x2f3: {  	_ =	swait.ge [sflag:s8], $0x8000  }
0x2f4: {  	[sflag:s8] =	ssyncset.done $0x0  }
0x2f5: {  	[sflag:s8] =	ssyncadd.s32 $0xFFFF8000  }
0x2f6: {  	_ =	swait.ge [sflag:s8], $0x8000  }
0x2f7: {  	[sflag:s8] =	ssyncset.done $0x0  }
0x2f8: {  	[sflag:s8] =	ssyncadd.s32 $0xFFFF8000  }
0x2f9: {  	_ =	swait.ge [sflag:s6], $0x8000  }
0x2fa: {  	[sflag:s6] =	ssyncset.done $0x0  }
0x2fb: {  	[sflag:s6] =	ssyncadd.s32 $0xFFFF8000  }
0x2fc: {  	_ =	swait.ge [sflag:s6], $0x8000  }
0x2fd: {  	[sflag:s6] =	ssyncset.done $0x0  }
0x2fe: {  	[sflag:s6] =	ssyncadd.s32 $0xFFFF8000  }
0x2ff: {  	_ =	swait.ge [sflag:s6], $0x8000  }
0x300: {  	[sflag:s6] =	ssyncset.done $0x0  }
0x301: {  	[sflag:s6] =	ssyncadd.s32 $0xFFFF8000  }
0x302: {  	_ =	swait.ge [sflag:s6], $0x8000  }
0x303: {  	[sflag:s6] =	ssyncset.done $0x0  }
0x304: {  	[sflag:s6] =	ssyncadd.s32 $0xFFFF8000  }
0x305: {  	_ =	swait.ge [sflag:s6], $0x8000  }
0x306: {  	[sflag:s6] =	ssyncset.done $0x0  }
0x307: {  	[sflag:s6] =	ssyncadd.s32 $0xFFFF8000  }
0x308: {  	_ =	swait.ge [sflag:s6], $0x8000  }
0x309: {  	[sflag:s6] =	ssyncset.done $0x0  }
0x30a: {  	[sflag:s6] =	ssyncadd.s32 $0xFFFF8000  }
0x30b: {  	_ =	swait.ge [sflag:s6], $0x8000  }
0x30c: {  	[sflag:s6] =	ssyncset.done $0x0  }
0x30d: {  	[sflag:s6] =	ssyncadd.s32 $0xFFFF8000  }
0x30e: {  	_ =	swait.ge [sflag:s5], $0x8000  }
0x30f: {  	[sflag:s5] =	ssyncset.done $0x0  }
0x310: {  	[sflag:s5] =	ssyncadd.s32 $0xFFFF8000  }
0x311: {  	_ =	swait.ge [sflag:s5], $0x8000  }
0x312: {  	[sflag:s5] =	ssyncset.done $0x0  }
0x313: {  	[sflag:s5] =	ssyncadd.s32 $0xFFFF8000  }
0x314: {  	_ =	swait.ge [sflag:s5], $0x8000  }
0x315: {  	[sflag:s5] =	ssyncset.done $0x0  }
0x316: {  	[sflag:s5] =	ssyncadd.s32 $0xFFFF8000  }
0x317: {  	_ =	swait.ge [sflag:s5], $0x8000  }
0x318: {  	[sflag:s5] =	ssyncset.done $0x0  }
0x319: {  	[sflag:s5] =	ssyncadd.s32 $0xFFFF8000  }
0x31a: {  	_ =	swait.ge [sflag:s5], $0x8000  }
0x31b: {  	[sflag:s5] =	ssyncset.done $0x0  }
0x31c: {  	[sflag:s5] =	ssyncadd.s32 $0xFFFF8000  }
0x31d: {  	_ =	swait.ge [sflag:s5], $0x8000  }
0x31e: {  	[sflag:s5] =	ssyncset.done $0x0  }
0x31f: {  	[sflag:s5] =	ssyncadd.s32 $0xFFFF8000  }
0x320: {  	_ =	swait.ge [sflag:s5], $0x8000  }
0x321: {  	[sflag:s5] =	ssyncset.done $0x0  }
0x322: {  	s31 =	rddreg [dreg:$0x4];
	[sflag:s5] =	ssyncadd.s32 $0xFFFF8000  }
0x323: {  	[hbm4b:s31+s2] =	stream.linear.scatter [tilespmem:s4], [sflag:$0x5], $0x8000, $0x38;
	[tilespmem:$0xE400] =	vst v63  }
0x324: {  	_ =	swait.ge [sflag:s3], $0x8000  }
0x325: {  	[sflag:s3] =	ssyncset.done $0x0  }
0x326: {  	[sflag:s3] =	ssyncadd.s32 $0xFFFF8000  }
0x327: {  	_ =	sfence.sel $0x180000  }
0x328: {  	[bflag:$0x0] =	sbarrier.arrive $0xFFFF  }
0x329: {  	_ =	strace $0x90000047  }
0x32a: {  	[bflag:$0x2] =	sbarrier.arrive $0xFFFF  }
0x32b: {  	p0 =	sne.s32 s10, $0x0;
	s0 =	rddreg [dreg:$0x2]  }
0x32c: {  	s0 =	sadd.s32 @!p0 $0x100000, s0  }
0x32d: {  	[sflag:s0] =	ssyncadd.tile.s32 @!p0 $0x1;
	_ =	shalt  }
.LBB2_1:
0x32e: {  	s17 =	simm.s32 $0x4600;
	s30 =	simm.s32 $0x4400  }
0x32f: {  	s29 =	simm.s32 $0x4200;
	s28 =	simm.s32 $0x4000;
	s26 =	simm.s32 $0x3E00  }
.Ltmp3:
0x330: {  	s25 =	simm.s32 $0x3C00;
	s24 =	simm.s32 $0x5400;
	(pc) =	sbr.rel .LBB2_6-.Ltmp3, $4  }
0x331: {  	s23 =	simm.s32 $0x5200;
	s22 =	simm.s32 $0x5000;
	s21 =	simm.s32 $0x4E00  }
0x332: {  	s20 =	simm.s32 $0x4C00;
	s19 =	simm.s32 $0x4A00;
	s18 =	simm.s32 $0x4800  }
0x333: {  	s16 =	simm.s32 $0x6000;
	s15 =	simm.s32 $0x5E00;
	s14 =	simm.s32 $0x5C00  }
0x334: {  	s13 =	simm.s32 $0x5A00;
	s12 =	simm.s32 $0x5800;
	s11 =	simm.s32 $0x5600  }
.LBB2_3:
0x335: {  	s17 =	simm.s32 $0x4600;
	s30 =	simm.s32 $0x4400;
	s29 =	simm.s32 $0x4200  }
0x336: {  	s28 =	simm.s32 $0x4000;
	s26 =	simm.s32 $0x3E00;
	s25 =	simm.s32 $0x3C00  }
.Ltmp4:
0x337: {  	s24 =	simm.s32 $0x5400;
	s23 =	simm.s32 $0x5200;
	(pc) =	sbr.rel .LBB2_6-.Ltmp4, $4  }
0x338: {  	s22 =	simm.s32 $0x5000;
	s21 =	simm.s32 $0x4E00;
	s20 =	simm.s32 $0x4C00  }
0x339: {  	s19 =	simm.s32 $0x4A00;
	s18 =	simm.s32 $0x4800;
	s16 =	simm.s32 $0x6000  }
0x33a: {  	s15 =	simm.s32 $0x5E00;
	s14 =	simm.s32 $0x5C00;
	s13 =	simm.s32 $0x5A00  }
0x33b: {  	s12 =	simm.s32 $0x5800;
	s11 =	simm.s32 $0x5600;
	s10 =	stileid.u32  }
.Lfunc_end2:
_tile_overlayer_lowered:
.L_overlay_start_2:
0x33c: {  	(tag) =	ssettag $0x2  }
0x33d: {  	s0 =	rddreg [dreg:$0x0];
	s2 =	stileid.u32  }
0x33e: {  	s1 =	rddreg [dreg:$0x1];
	p0 =	sne.s32 s2, $0x0  }
0x33f: {  	s3 =	rddreg [dreg:$0x2];
	[bflag:$0x3] =	sbarrier.arrive $0xFFFF;
	s2 =	simm.s32 @!p0 $0x1C05  }
0x340: {  	[timem:s3], [sflag:s2] =	dma.local @!p0 [hbm:s0], s1  }
0x341: {  	s0 =	simm.s32 @!p0 $0x5  }
0x342: {  	_ =	swait.ge @!p0 [sflag:s0], s1  }
0x343: {  	s1 =	ssub.s32 @!p0 $0x0, s1;
	[sflag:s0] =	ssyncset.done @!p0 $0x0  }
0x344: {  	[sflag:s0] =	ssyncadd.s32 @!p0 s1  }
0x345: {  	[bflag:$0x3] =	sbarrier.arrive $0xFFFF  }
0x346: {  	_ =	shalt  }

</sc_bundles>
